<compile_context>
chip_gen: v7x
topology: tpu7x:2x2x1
jax: 0.10.2.dev20260603
libtpu: 0.0.44.dev20260713+nightly
codegen_flags: <defaults>
</compile_context>

<pallas_src>
import functools
import math

import jax
import jax.numpy as jnp
from jax import lax
from jax.experimental import pallas as pl
from jax.experimental.pallas import tpu as pltpu
from jax.experimental.pallas import tpu_sc as plsc

F32 = jnp.float32
H = 128
N_NODES = 10000
N_EDGES = 160000
N_GRAPHS = 500
N_FREQ = 64

NC, NS = 2, 16
NW = NC * NS
CH = 128
EPW = 5120
E_PAD = NW * EPW
NCHUNK = EPW // CH
G_PAD = 512
GT_W = 144
NR = 10240
RPT = NR // NS
DUMMY = N_NODES + 8

E_BLK = 2048
EGRID = E_PAD // E_BLK
NB = 1024
NGRID = NR // NB
NODE_BLK = 1000
PGRID = N_NODES // NODE_BLK



def _prep_nodes_body(nf_ref, lns_ref, lnb_ref, whi_ref, whj_ref,
                     h_ref, pi_ref, pj_ref):
    x = nf_ref[...]
    mu = jnp.mean(x, axis=1, keepdims=True)
    xc = x - mu
    var = jnp.mean(xc * xc, axis=1, keepdims=True)
    h = xc * lax.rsqrt(var + 1e-5) * lns_ref[...] + lnb_ref[...]
    h_ref[...] = h
    pi_ref[...] = jnp.dot(h, whi_ref[...], preferred_element_type=F32)
    pj_ref[...] = jnp.dot(h, whj_ref[...], preferred_element_type=F32)


_prep_nodes = pl.pallas_call(
    _prep_nodes_body,
    grid=(PGRID,),
    in_specs=[
        pl.BlockSpec((NODE_BLK, H), lambda i: (i, 0)),
        pl.BlockSpec((1, H), lambda i: (0, 0)),
        pl.BlockSpec((1, H), lambda i: (0, 0)),
        pl.BlockSpec((H, H), lambda i: (0, 0)),
        pl.BlockSpec((H, H), lambda i: (0, 0)),
    ],
    out_specs=[pl.BlockSpec((NODE_BLK, H), lambda i: (i, 0))] * 3,
    out_shape=[jax.ShapeDtypeStruct((N_NODES, H), F32)] * 3,
)


def _graph_body(lat_ref, wlat_ref, b1_ref, gt_ref):
    lat = lat_ref[...]
    ar = lat[:, 3:6] * (math.pi / 180.0)
    c = jnp.cos(ar)
    s = jnp.sin(ar)
    c0, c1, c2 = c[:, 0:1], c[:, 1:2], c[:, 2:3]
    s0, s1 = s[:, 0:1], s[:, 1:2]
    val = jnp.clip((c0 * c1 - c2) / (s0 * s1), -1.0, 1.0)
    sg = jnp.sqrt(jnp.maximum(1.0 - val * val, 0.0))
    zero = jnp.zeros_like(val)
    one = jnp.ones_like(val)
    mp = jnp.concatenate(
        [s1, zero, c1,
         -s0 * val, s0 * sg, c0,
         zero, zero, one], axis=1)
    glat = jnp.dot(lat, wlat_ref[...], preferred_element_type=F32) + b1_ref[...]
    gt_ref[...] = jnp.concatenate(
        [glat, mp, jnp.zeros((G_PAD, GT_W - H - 9), F32)], axis=1)


_graph_table = pl.pallas_call(
    _graph_body,
    out_shape=jax.ShapeDtypeStruct((G_PAD, GT_W), F32),
)


def _edge_body(ef_ref, pi_ref, pj_ref, fd_ref, e2g_ref, gt_ref,
               w1e_ref, w1s_ref, w1c_ref, w2_ref, b2_ref, out_ref):
    e2g = e2g_ref[...]
    iota_g = lax.broadcasted_iota(jnp.int32, (E_BLK, G_PAD), 1)
    oh = jnp.where(e2g == iota_g, 1.0, 0.0)
    g = jnp.dot(oh, gt_ref[...], preferred_element_type=F32)
    z = jnp.dot(ef_ref[...], w1e_ref[...], preferred_element_type=F32)
    z = z + pi_ref[...] + pj_ref[...] + g[:, 0:H]
    fd = fd_ref[...]
    fr = 2.0 * math.pi * lax.broadcasted_iota(
        jnp.int32, (1, N_FREQ), 1).astype(F32)
    xs = []
    for k in range(3):
        xk = (fd[:, 0:1] * g[:, H + 3 * k:H + 3 * k + 1]
              + fd[:, 1:2] * g[:, H + 3 * k + 1:H + 3 * k + 2]
              + fd[:, 2:3] * g[:, H + 3 * k + 2:H + 3 * k + 3])
        xs.append(xk * fr)
    X = jnp.concatenate(xs, axis=1)
    z = z + jnp.dot(jnp.sin(X), w1s_ref[...], preferred_element_type=F32)
    z = z + jnp.dot(jnp.cos(X), w1c_ref[...], preferred_element_type=F32)
    m = z * jax.nn.sigmoid(z)
    m = jnp.dot(m, w2_ref[...], preferred_element_type=F32) + b2_ref[...]
    m = m * jax.nn.sigmoid(m)
    out_ref[...] = jnp.concatenate(
        [m, jnp.ones((E_BLK, 1), F32), jnp.zeros((E_BLK, GT_W - H - 1), F32)],
        axis=1)


_edge_mlp = pl.pallas_call(
    _edge_body,
    grid=(EGRID,),
    in_specs=[
        pl.BlockSpec((E_BLK, H), lambda i: (i, 0)),
        pl.BlockSpec((E_BLK, H), lambda i: (i, 0)),
        pl.BlockSpec((E_BLK, H), lambda i: (i, 0)),
        pl.BlockSpec((E_BLK, 4), lambda i: (i, 0)),
        pl.BlockSpec((E_BLK, 1), lambda i: (i, 0)),
        pl.BlockSpec((G_PAD, GT_W), lambda i: (0, 0)),
        pl.BlockSpec((H, H), lambda i: (0, 0)),
        pl.BlockSpec((192, H), lambda i: (0, 0)),
        pl.BlockSpec((192, H), lambda i: (0, 0)),
        pl.BlockSpec((H, H), lambda i: (0, 0)),
        pl.BlockSpec((1, H), lambda i: (0, 0)),
    ],
    out_specs=pl.BlockSpec((E_BLK, GT_W), lambda i: (i, 0)),
    out_shape=jax.ShapeDtypeStruct((E_PAD, GT_W), F32),
)


def _node_body(h_ref, nf_ref, agg_ref, wna_ref, wnb_ref, nb1_ref,
               wn2_ref, nb2_ref, out_ref):
    a0 = agg_ref[0]
    a1 = agg_ref[1]
    ssum = a0[:, 0:H] + a1[:, 0:H]
    cnt = a0[:, H:H + 1] + a1[:, H:H + 1]
    agg = ssum / jnp.maximum(cnt, 1.0)
    t = (jnp.dot(h_ref[...], wna_ref[...], preferred_element_type=F32)
         + jnp.dot(agg, wnb_ref[...], preferred_element_type=F32)
         + nb1_ref[...])
    t = t * jax.nn.sigmoid(t)
    o = jnp.dot(t, wn2_ref[...], preferred_element_type=F32) + nb2_ref[...]
    o = o * jax.nn.sigmoid(o)
    out_ref[...] = nf_ref[...] + o


_node_mlp = pl.pallas_call(
    _node_body,
    grid=(NGRID,),
    in_specs=[
        pl.BlockSpec((NB, H), lambda i: (i, 0)),
        pl.BlockSpec((NB, H), lambda i: (i, 0)),
        pl.BlockSpec((2, NB, GT_W), lambda i: (0, i, 0)),
        pl.BlockSpec((H, H), lambda i: (0, 0)),
        pl.BlockSpec((H, H), lambda i: (0, 0)),
        pl.BlockSpec((1, H), lambda i: (0, 0)),
        pl.BlockSpec((H, H), lambda i: (0, 0)),
        pl.BlockSpec((1, H), lambda i: (0, 0)),
    ],
    out_specs=pl.BlockSpec((NB, H), lambda i: (i, 0)),
    out_shape=jax.ShapeDtypeStruct((NR, H), F32),
)



def _sc_gather_body(pi_hbm, pj_hbm, src_hbm, dst_hbm, oi_hbm, oj_hbm,
                    si, di, bi, bj, s1, s2):
    wid = lax.axis_index("s") * NC + lax.axis_index("c")
    base = wid * EPW

    def body(j, carry):
        off = base + j * CH
        pltpu.sync_copy(src_hbm.at[pl.ds(off, CH)], si)
        pltpu.sync_copy(dst_hbm.at[pl.ds(off, CH)], di)
        ci = pltpu.async_copy(pi_hbm.at[si], bi, s1)
        cj = pltpu.async_copy(pj_hbm.at[di], bj, s2)
        ci.wait()
        cj.wait()
        pltpu.sync_copy(bi, oi_hbm.at[pl.ds(off, CH)])
        pltpu.sync_copy(bj, oj_hbm.at[pl.ds(off, CH)])
        return carry

    lax.fori_loop(0, NCHUNK, body, 0)


@functools.lru_cache(maxsize=None)
def _sc_gather_call():
    mesh = plsc.VectorSubcoreMesh(
        core_axis_name="c", subcore_axis_name="s",
        num_cores=NC, num_subcores=NS)
    return pl.kernel(
        _sc_gather_body,
        out_type=(jax.ShapeDtypeStruct((E_PAD, H), F32),
                  jax.ShapeDtypeStruct((E_PAD, H), F32)),
        mesh=mesh,
        scratch_types=[
            pltpu.VMEM((CH,), jnp.int32),
            pltpu.VMEM((CH,), jnp.int32),
            pltpu.VMEM((CH, H), F32),
            pltpu.VMEM((CH, H), F32),
            pltpu.SemaphoreType.DMA,
            pltpu.SemaphoreType.DMA,
        ],
    )


def _sc_gather(pi, pj, src_g, dst_g):
    return _sc_gather_call()(pi, pj, src_g, dst_g)


def _sc_scatter_body(m_hbm, srcs_hbm, z_hbm, out_hbm, idxv, mbuf, shared):
    cid = lax.axis_index("c")
    sid = lax.axis_index("s")
    wid = sid * NC + cid
    pltpu.sync_copy(z_hbm, shared.at[pl.ds(sid * RPT, RPT)])
    pltpu.sync_copy(srcs_hbm.at[pl.ds(wid * NCHUNK, NCHUNK)], idxv)
    plsc.subcore_barrier()

    def body(j, carry):
        pltpu.sync_copy(m_hbm.at[pl.ds(wid * EPW + j * CH, CH)], mbuf)
        pltpu.sync_copy(mbuf, shared.at[idxv.at[j]], add=True)
        return carry

    lax.fori_loop(0, NCHUNK, body, 0)
    plsc.subcore_barrier()
    pltpu.sync_copy(shared.at[pl.ds(sid * RPT, RPT)],
                    out_hbm.at[pl.ds(cid * NR + sid * RPT, RPT)])


@functools.lru_cache(maxsize=None)
def _sc_scatter_call():
    mesh = plsc.VectorSubcoreMesh(
        core_axis_name="c", subcore_axis_name="s",
        num_cores=NC, num_subcores=NS)
    return pl.kernel(
        _sc_scatter_body,
        out_type=jax.ShapeDtypeStruct((NC * NR, GT_W), F32),
        mesh=mesh,
        compiler_params=pltpu.CompilerParams(use_tc_tiling_on_sc=False),
        scratch_types=[
            pltpu.VMEM((NCHUNK, CH), jnp.int32),
            pltpu.VMEM((CH, GT_W), F32),
            pltpu.VMEM_SHARED((NR, GT_W), F32),
        ],
    )


def _sc_scatter(m_ext, src_s, zrows):
    return _sc_scatter_call()(m_ext, src_s, zrows)



def kernel(node_features, lattices, edge_index, edge2graph, frac_diff,
           edge_feats, ln_scale, ln_bias, edge_W1, edge_b1, edge_W2, edge_b2,
           node_W1, node_b1, node_W2, node_b2):
    w1e = edge_W1[0:H]
    whi = edge_W1[H:2 * H]
    whj = edge_W1[2 * H:3 * H]
    wlat = jnp.concatenate([edge_W1[3 * H:3 * H + 6], jnp.zeros((2, H), F32)], 0)
    wsin = edge_W1[390:582]
    wcos = edge_W1[582:774]

    lat_pad = jnp.concatenate(
        [lattices,
         jnp.tile(jnp.asarray([[1.0, 1.0, 1.0, 90.0, 90.0, 90.0]], F32),
                  (G_PAD - N_GRAPHS, 1))], 0)
    lat8 = jnp.concatenate([lat_pad, jnp.zeros((G_PAD, 2), F32)], 1)

    pad_e = E_PAD - N_EDGES
    src = edge_index[0]
    dst = edge_index[1]
    src_g = jnp.concatenate([src, jnp.zeros((pad_e,), jnp.int32)])
    dst_g = jnp.concatenate([dst, jnp.zeros((pad_e,), jnp.int32)])
    src_s = jnp.concatenate(
        [src, jnp.full((pad_e,), DUMMY, jnp.int32)]).reshape(E_PAD // CH, CH)
    e2g2d = jnp.concatenate(
        [edge2graph, jnp.zeros((pad_e,), jnp.int32)])[:, None]
    fd4 = jnp.concatenate([frac_diff, jnp.zeros((N_EDGES, 1), F32)], 1)
    fd4 = jnp.concatenate([fd4, jnp.zeros((pad_e, 4), F32)], 0)
    ef_pad = jnp.concatenate([edge_feats, jnp.zeros((pad_e, H), F32)], 0)

    h, pi, pj = _prep_nodes(node_features, ln_scale[None], ln_bias[None],
                            whi, whj)
    gtable = _graph_table(lat8, wlat, edge_b1[None])

    pig, pjg = _sc_gather(pi, pj, src_g, dst_g)

    m_ext = _edge_mlp(ef_pad, pig, pjg, fd4, e2g2d, gtable,
                      w1e, wsin, wcos, edge_W2, edge_b2[None])

    zrows = jnp.zeros((RPT, GT_W), F32)
    agg2 = _sc_scatter(m_ext, src_s, zrows).reshape(NC, NR, GT_W)

    pad_n = NR - N_NODES
    h_pad = jnp.concatenate([h, jnp.zeros((pad_n, H), F32)], 0)
    nf_pad = jnp.concatenate([node_features, jnp.zeros((pad_n, H), F32)], 0)
    out = _node_mlp(h_pad, nf_pad, agg2, node_W1[:H], node_W1[H:],
                    node_b1[None], node_W2, node_b2[None])
    return out[:N_NODES]

# --- scband reference (transcript-rebuilt; emitter-appended) ---
"""Pipeline reference for scband-se3-projected-conjugated-cspnet-85109071937591 (READ-ONLY COPY).

The authoritative reference and input builder live on the scoring server;
editing this copy changes nothing except your own understanding.
"""

import jax, jax.numpy as jnp
import numpy as np

HIDDEN = 128
N_NODES = 10000
N_EDGES = 160000
N_GRAPHS = 500
N_FREQ = 64
N_SPACE = 3
DIS_DIM = N_FREQ * 2 * N_SPACE
EDGE_IN = HIDDEN + 2 * HIDDEN + 6 + DIS_DIM  # edge_feats + hi + hj + lattices_flat + cart_diff_emb


def lattice_params_to_matrix(lengths, angles):
    angles_r = jnp.deg2rad(angles)
    coses = jnp.cos(angles_r)
    sins = jnp.sin(angles_r)
    val = (coses[:, 0] * coses[:, 1] - coses[:, 2]) / (sins[:, 0] * sins[:, 1])
    val = jnp.clip(val, -1.0, 1.0)
    gamma_star = jnp.arccos(val)
    zeros = jnp.zeros_like(lengths[:, 0])
    va = jnp.stack([lengths[:, 0] * sins[:, 1], zeros, lengths[:, 0] * coses[:, 1]], axis=1)
    vb = jnp.stack([-lengths[:, 1] * sins[:, 0] * jnp.cos(gamma_star),
                    lengths[:, 1] * sins[:, 0] * jnp.sin(gamma_star),
                    lengths[:, 1] * coses[:, 0]], axis=1)
    vc = jnp.stack([zeros, zeros, lengths[:, 2]], axis=1)
    return jnp.stack([va, vb, vc], axis=1)


def _lin_init(k, fin, fout):
    return (jax.random.normal(k, (fin, fout), dtype=jnp.float32) / np.sqrt(fin))


def setup_inputs(seed: int = 0):
    key = jax.random.key(seed)
    ks = jax.random.split(key, 16)
    node_features = jax.random.normal(ks[0], (N_NODES, HIDDEN), dtype=jnp.float32)
    lengths = jax.random.uniform(ks[1], (N_GRAPHS, 3), minval=3.0, maxval=10.0, dtype=jnp.float32)
    angles = jax.random.uniform(ks[2], (N_GRAPHS, 3), minval=60.0, maxval=120.0, dtype=jnp.float32)
    lattices = jnp.concatenate([lengths, angles], axis=1)
    edge_index = jax.random.randint(ks[3], (2, N_EDGES), 0, N_NODES, dtype=jnp.int32)
    edge2graph = jnp.sort(jax.random.randint(ks[4], (N_EDGES,), 0, N_GRAPHS, dtype=jnp.int32))
    frac_diff = jax.random.uniform(ks[5], (N_EDGES, N_SPACE), minval=-0.5, maxval=0.5, dtype=jnp.float32)
    edge_feats = jax.random.normal(ks[6], (N_EDGES, HIDDEN), dtype=jnp.float32) * 0.1
    return {
        'node_features': node_features,
        'lattices': lattices,
        'edge_index': edge_index,
        'edge2graph': edge2graph,
        'frac_diff': frac_diff,
        'edge_feats': edge_feats,
        'ln_scale': jnp.ones((HIDDEN,), dtype=jnp.float32),
        'ln_bias': jnp.zeros((HIDDEN,), dtype=jnp.float32),
        'edge_W1': _lin_init(ks[7], EDGE_IN, HIDDEN),
        'edge_b1': jnp.zeros((HIDDEN,), dtype=jnp.float32),
        'edge_W2': _lin_init(ks[8], HIDDEN, HIDDEN),
        'edge_b2': jnp.zeros((HIDDEN,), dtype=jnp.float32),
        'node_W1': _lin_init(ks[9], 2 * HIDDEN, HIDDEN),
        'node_b1': jnp.zeros((HIDDEN,), dtype=jnp.float32),
        'node_W2': _lin_init(ks[10], HIDDEN, HIDDEN),
        'node_b2': jnp.zeros((HIDDEN,), dtype=jnp.float32),
    }


def reference(node_features, lattices, edge_index, edge2graph, frac_diff, edge_feats,
              ln_scale, ln_bias, edge_W1, edge_b1, edge_W2, edge_b2,
              node_W1, node_b1, node_W2, node_b2):
    node_input = node_features
    # LayerNorm (self.ln = True)
    mu = jnp.mean(node_features, axis=-1, keepdims=True)
    var = jnp.var(node_features, axis=-1, keepdims=True)
    h = (node_features - mu) / jnp.sqrt(var + 1e-5) * ln_scale + ln_bias
    # --- edge model (CartesianCSPLayer.get_edge_features) ---
    hi = jnp.take(h, edge_index[0], axis=0)
    hj = jnp.take(h, edge_index[1], axis=0)
    mats = lattice_params_to_matrix(lattices[:, :3], lattices[:, 3:])
    mats_e = jnp.take(mats, edge2graph, axis=0)
    cart_diff = jnp.einsum('ij,ikj->ik', frac_diff, mats_e)
    lat_len_e = jnp.take(lattices[:, :3], edge2graph, axis=0)
    # SinusoidsEmbeddingCart (n_frequencies=64, n_space=3), output detached
    x = cart_diff / lat_len_e
    freqs = (2.0 * np.pi * jnp.arange(N_FREQ, dtype=jnp.float32))
    emb = x[:, :, None] * freqs[None, None, :]
    emb = emb.reshape(-1, N_FREQ * N_SPACE)
    emb = jnp.concatenate([jnp.sin(emb), jnp.cos(emb)], axis=-1)
    emb = jax.lax.stop_gradient(emb)
    lat_flat_e = jnp.take(lattices.reshape(lattices.shape[0], -1), edge2graph, axis=0)
    ef = jnp.concatenate([edge_feats, hi, hj, lat_flat_e, emb], axis=1)
    m = jax.nn.silu(ef @ edge_W1 + edge_b1)
    m = jax.nn.silu(m @ edge_W2 + edge_b2)
    # --- node model: scatter-mean over destination nodes (edge_index[0]) ---
    agg = jax.ops.segment_sum(m, edge_index[0], num_segments=node_features.shape[0])
    cnt = jax.ops.segment_sum(jnp.ones((m.shape[0], 1), dtype=m.dtype), edge_index[0],
                              num_segments=node_features.shape[0])
    agg = agg / jnp.maximum(cnt, 1.0)
    nh = jnp.concatenate([h, agg], axis=1)
    out = jax.nn.silu(nh @ node_W1 + node_b1)
    out = jax.nn.silu(out @ node_W2 + node_b2)
    return node_input + out

if __name__ == "__main__":
    import jax
    _d = setup_inputs()
    print(jax.jit(kernel)(*tuple(_d.values())))

</pallas_src>

<mosaic_0001>
#map = affine_map<(d0, d1) -> (0, 0)>
module attributes {stable_mosaic.version = 14 : i64} {
  func.func @_sc_scatter_body(%arg0: i32, %arg1: i32, %arg2: memref<163840x144xf32, #tpu.memory_space<hbm>>, %arg3: memref<1280x128xi32, #tpu.memory_space<hbm>>, %arg4: memref<640x144xf32, #tpu.memory_space<hbm>>, %arg5: memref<20480x144xf32, #tpu.memory_space<hbm>>, %arg6: memref<40x128xi32, #tpu.memory_space<vmem>>, %arg7: memref<128x144xf32, #tpu.memory_space<vmem>>, %arg8: memref<10240x144xf32, #tpu.memory_space<vmem_shared>>) attributes {dimension_semantics = [#tpu.dimension_semantics<core_parallel>, #tpu.dimension_semantics<subcore_parallel>], iteration_bounds = array<i64: 2, 16>, scalar_prefetch = 0 : i64, scratch_operands = 3 : i64, tpu.core_type = #tpu.core_type<sc_vector_subcore>, window_params = [{transform_indices = #map}, {transform_indices = #map}, {transform_indices = #map}, {transform_indices = #map}]} {
    %mul3A = arith.constant 2 : i32
    %mul3A_0 = arith.muli %arg1, %mul3A : i32
    %add3A = arith.addi %mul3A_0, %arg0 : i32
    %mul3A_1 = arith.constant 640 : i32
    %mul3A_2 = arith.muli %arg1, %mul3A_1 : i32
    "tpu.region"() ({
      %run_scoped3A = tpu.sem_alloc : memref<!tpu.dma_semaphore, #tpu.memory_space<semaphore_mem>>
      %dma_start3A = arith.constant 0 : i32
      %dma_start3A_18 = tpu.memref_slice %arg8[%mul3A_2, %dma_start3A] : memref<10240x144xf32, #tpu.memory_space<vmem_shared>> -> memref<640x144xf32, #tpu.memory_space<vmem_shared>>
      tpu.enqueue_dma source(%arg4 : memref<640x144xf32, #tpu.memory_space<hbm>>) target(%dma_start3A_18 : memref<640x144xf32, #tpu.memory_space<vmem_shared>>) target_semaphore(%run_scoped3A : memref<!tpu.dma_semaphore, #tpu.memory_space<semaphore_mem>>)
      %dma_wait3A = arith.constant 0 : i32
      %dma_wait3A_19 = tpu.memref_slice %arg8[%mul3A_2, %dma_wait3A] : memref<10240x144xf32, #tpu.memory_space<vmem_shared>> -> memref<640x144xf32, #tpu.memory_space<vmem_shared>>
      tpu.wait_dma2 semaphore(%run_scoped3A : memref<!tpu.dma_semaphore, #tpu.memory_space<semaphore_mem>>) src(%arg4 : memref<640x144xf32, #tpu.memory_space<hbm>>) dst(%dma_wait3A_19 : memref<640x144xf32, #tpu.memory_space<vmem_shared>>)
      tpu.yield
    }) : () -> ()
    %mul3A_3 = arith.constant 40 : i32
    %mul3A_4 = arith.muli %add3A, %mul3A_3 : i32
    "tpu.region"() ({
      %run_scoped3A = tpu.sem_alloc : memref<!tpu.dma_semaphore, #tpu.memory_space<semaphore_mem>>
      %dma_start3A = arith.constant 0 : i32
      %dma_start3A_18 = tpu.memref_slice %arg3[%mul3A_4, %dma_start3A] : memref<1280x128xi32, #tpu.memory_space<hbm>> -> memref<40x128xi32, #tpu.memory_space<hbm>>
      %dma_start3A_19 = arith.constant 0 : i32
      %dma_start3A_20 = tpu.memref_slice %arg3[%mul3A_4, %dma_start3A_19] : memref<1280x128xi32, #tpu.memory_space<hbm>> -> memref<40x128xi32, #tpu.memory_space<hbm>>
      tpu.enqueue_dma source(%dma_start3A_20 : memref<40x128xi32, #tpu.memory_space<hbm>>) target(%arg6 : memref<40x128xi32, #tpu.memory_space<vmem>>) target_semaphore(%run_scoped3A : memref<!tpu.dma_semaphore, #tpu.memory_space<semaphore_mem>>)
      %dma_wait3A = arith.constant 0 : i32
      %dma_wait3A_21 = tpu.memref_slice %arg3[%mul3A_4, %dma_wait3A] : memref<1280x128xi32, #tpu.memory_space<hbm>> -> memref<40x128xi32, #tpu.memory_space<hbm>>
      %dma_wait3A_22 = arith.constant 0 : i32
      %dma_wait3A_23 = tpu.memref_slice %arg3[%mul3A_4, %dma_wait3A_22] : memref<1280x128xi32, #tpu.memory_space<hbm>> -> memref<40x128xi32, #tpu.memory_space<hbm>>
      tpu.wait_dma2 semaphore(%run_scoped3A : memref<!tpu.dma_semaphore, #tpu.memory_space<semaphore_mem>>) src(%dma_wait3A_23 : memref<40x128xi32, #tpu.memory_space<hbm>>) dst(%arg6 : memref<40x128xi32, #tpu.memory_space<vmem>>)
      tpu.yield
    }) : () -> ()
    %barrier3A = arith.constant 0 : index
    tpu.barrier barrier_id(%barrier3A)
    %scan3A = arith.constant 0 : i32
    %scan3A_5 = arith.constant 0 : i32
    %scan3A_6 = arith.constant 40 : i32
    %scan3A_7 = arith.addi %scan3A_5, %scan3A_6 : i32
    %scan3A_8 = arith.constant 1 : i32
    scf.for %scan3A_18 = %scan3A_5 to %scan3A_7 step %scan3A_8  : i32 {
      %mul3A_19 = arith.constant 5120 : i32
      %mul3A_20 = arith.muli %add3A, %mul3A_19 : i32
      %mul3A_21 = arith.constant 128 : i32
      %mul3A_22 = arith.muli %scan3A_18, %mul3A_21 : i32
      %add3A_23 = arith.addi %mul3A_20, %mul3A_22 : i32
      "tpu.region"() ({
        %run_scoped3A = tpu.sem_alloc : memref<!tpu.dma_semaphore, #tpu.memory_space<semaphore_mem>>
        %dma_start3A = arith.constant 0 : i32
        %dma_start3A_24 = tpu.memref_slice %arg2[%add3A_23, %dma_start3A] : memref<163840x144xf32, #tpu.memory_space<hbm>> -> memref<128x144xf32, #tpu.memory_space<hbm>>
        %dma_start3A_25 = arith.constant 0 : i32
        %dma_start3A_26 = tpu.memref_slice %arg2[%add3A_23, %dma_start3A_25] : memref<163840x144xf32, #tpu.memory_space<hbm>> -> memref<128x144xf32, #tpu.memory_space<hbm>>
        tpu.enqueue_dma source(%dma_start3A_26 : memref<128x144xf32, #tpu.memory_space<hbm>>) target(%arg7 : memref<128x144xf32, #tpu.memory_space<vmem>>) target_semaphore(%run_scoped3A : memref<!tpu.dma_semaphore, #tpu.memory_space<semaphore_mem>>)
        %dma_wait3A = arith.constant 0 : i32
        %dma_wait3A_27 = tpu.memref_slice %arg2[%add3A_23, %dma_wait3A] : memref<163840x144xf32, #tpu.memory_space<hbm>> -> memref<128x144xf32, #tpu.memory_space<hbm>>
        %dma_wait3A_28 = arith.constant 0 : i32
        %dma_wait3A_29 = tpu.memref_slice %arg2[%add3A_23, %dma_wait3A_28] : memref<163840x144xf32, #tpu.memory_space<hbm>> -> memref<128x144xf32, #tpu.memory_space<hbm>>
        tpu.wait_dma2 semaphore(%run_scoped3A : memref<!tpu.dma_semaphore, #tpu.memory_space<semaphore_mem>>) src(%dma_wait3A_29 : memref<128x144xf32, #tpu.memory_space<hbm>>) dst(%arg7 : memref<128x144xf32, #tpu.memory_space<vmem>>)
        tpu.yield
      }) : () -> ()
      "tpu.region"() ({
        %run_scoped3A = tpu.sem_alloc : memref<!tpu.dma_semaphore, #tpu.memory_space<semaphore_mem>>
        %dma_start3A = arith.constant 0 : i32
        %dma_start3A_24 = tpu.memref_slice %arg6[%scan3A_18, %dma_start3A] : memref<40x128xi32, #tpu.memory_space<vmem>> -> memref<1x128xi32, #tpu.memory_space<vmem>>
        %dma_start3A_25 = tpu.memref_squeeze %dma_start3A_24 : memref<1x128xi32, #tpu.memory_space<vmem>> -> memref<128xi32, #tpu.memory_space<vmem>>
        %dma_start3A_26 = arith.constant 0 : i32
        %dma_start3A_27 = arith.constant 0 : i32
        %dma_start3A_28 = tpu.memref_slice %arg8[%dma_start3A_26, %dma_start3A_27] : memref<10240x144xf32, #tpu.memory_space<vmem_shared>> -> memref<10240x144xf32, #tpu.memory_space<vmem_shared>>
        tpu.enqueue_indirect_dma source(%arg7 : memref<128x144xf32, #tpu.memory_space<vmem>>) target(%dma_start3A_28 : memref<10240x144xf32, #tpu.memory_space<vmem_shared>>) offsets(%dma_start3A_25 : memref<128xi32, #tpu.memory_space<vmem>>) semaphore(%run_scoped3A : memref<!tpu.dma_semaphore, #tpu.memory_space<semaphore_mem>>) {add = true}
        %dma_wait3A = arith.constant 0 : i32
        %dma_wait3A_29 = tpu.memref_slice %arg6[%scan3A_18, %dma_wait3A] : memref<40x128xi32, #tpu.memory_space<vmem>> -> memref<1x128xi32, #tpu.memory_space<vmem>>
        %dma_wait3A_30 = tpu.memref_squeeze %dma_wait3A_29 : memref<1x128xi32, #tpu.memory_space<vmem>> -> memref<128xi32, #tpu.memory_space<vmem>>
        %dma_wait3A_31 = arith.constant 0 : i32
        %dma_wait3A_32 = arith.constant 0 : i32
        %dma_wait3A_33 = tpu.memref_slice %arg8[%dma_wait3A_31, %dma_wait3A_32] : memref<10240x144xf32, #tpu.memory_space<vmem_shared>> -> memref<10240x144xf32, #tpu.memory_space<vmem_shared>>
        tpu.wait_indirect_dma semaphore(%run_scoped3A : memref<!tpu.dma_semaphore, #tpu.memory_space<semaphore_mem>>) src(%arg7 : memref<128x144xf32, #tpu.memory_space<vmem>>) dst(%dma_wait3A_33 : memref<10240x144xf32, #tpu.memory_space<vmem_shared>>)
        tpu.yield
      }) : () -> ()
    }
    %scan3A_9 = arith.constant 40 : i32
    %barrier3A_10 = arith.constant 0 : index
    tpu.barrier barrier_id(%barrier3A_10)
    %mul3A_11 = arith.constant 640 : i32
    %mul3A_12 = arith.muli %arg1, %mul3A_11 : i32
    %mul3A_13 = arith.constant 10240 : i32
    %mul3A_14 = arith.muli %arg0, %mul3A_13 : i32
    %mul3A_15 = arith.constant 640 : i32
    %mul3A_16 = arith.muli %arg1, %mul3A_15 : i32
    %add3A_17 = arith.addi %mul3A_14, %mul3A_16 : i32
    "tpu.region"() ({
      %run_scoped3A = tpu.sem_alloc : memref<!tpu.dma_semaphore, #tpu.memory_space<semaphore_mem>>
      %dma_start3A = arith.constant 0 : i32
      %dma_start3A_18 = tpu.memref_slice %arg5[%add3A_17, %dma_start3A] : memref<20480x144xf32, #tpu.memory_space<hbm>> -> memref<640x144xf32, #tpu.memory_space<hbm>>
      %dma_start3A_19 = arith.constant 0 : i32
      %dma_start3A_20 = tpu.memref_slice %arg8[%mul3A_12, %dma_start3A_19] : memref<10240x144xf32, #tpu.memory_space<vmem_shared>> -> memref<640x144xf32, #tpu.memory_space<vmem_shared>>
      tpu.enqueue_dma source(%dma_start3A_20 : memref<640x144xf32, #tpu.memory_space<vmem_shared>>) target(%dma_start3A_18 : memref<640x144xf32, #tpu.memory_space<hbm>>) target_semaphore(%run_scoped3A : memref<!tpu.dma_semaphore, #tpu.memory_space<semaphore_mem>>)
      %dma_wait3A = arith.constant 0 : i32
      %dma_wait3A_21 = tpu.memref_slice %arg5[%add3A_17, %dma_wait3A] : memref<20480x144xf32, #tpu.memory_space<hbm>> -> memref<640x144xf32, #tpu.memory_space<hbm>>
      %dma_wait3A_22 = arith.constant 0 : i32
      %dma_wait3A_23 = tpu.memref_slice %arg8[%mul3A_12, %dma_wait3A_22] : memref<10240x144xf32, #tpu.memory_space<vmem_shared>> -> memref<640x144xf32, #tpu.memory_space<vmem_shared>>
      tpu.wait_dma2 semaphore(%run_scoped3A : memref<!tpu.dma_semaphore, #tpu.memory_space<semaphore_mem>>) src(%dma_wait3A_23 : memref<640x144xf32, #tpu.memory_space<vmem_shared>>) dst(%dma_wait3A_21 : memref<640x144xf32, #tpu.memory_space<hbm>>)
      tpu.yield
    }) : () -> ()
    return
  }
}

#map = affine_map<(d0, d1) -> (0, 0)>
#map1 = affine_map<(d0, d1) -> (0)>
module attributes {stable_mosaic.version = 14 : i64} {
  func.func @_sc_gather_body(%arg0: i32, %arg1: i32, %arg2: memref<10000x128xf32, #tpu.memory_space<hbm>>, %arg3: memref<10000x128xf32, #tpu.memory_space<hbm>>, %arg4: memref<163840xi32, #tpu.memory_space<hbm>>, %arg5: memref<163840xi32, #tpu.memory_space<hbm>>, %arg6: memref<163840x128xf32, #tpu.memory_space<hbm>>, %arg7: memref<163840x128xf32, #tpu.memory_space<hbm>>, %arg8: memref<128xi32, #tpu.memory_space<vmem>>, %arg9: memref<128xi32, #tpu.memory_space<vmem>>, %arg10: memref<128x128xf32, #tpu.memory_space<vmem>>, %arg11: memref<128x128xf32, #tpu.memory_space<vmem>>, %arg12: memref<!tpu.dma_semaphore, #tpu.memory_space<semaphore_mem>>, %arg13: memref<!tpu.dma_semaphore, #tpu.memory_space<semaphore_mem>>) attributes {dimension_semantics = [#tpu.dimension_semantics<core_parallel>, #tpu.dimension_semantics<subcore_parallel>], iteration_bounds = array<i64: 2, 16>, scalar_prefetch = 0 : i64, scratch_operands = 6 : i64, tpu.core_type = #tpu.core_type<sc_vector_subcore>, window_params = [{transform_indices = #map}, {transform_indices = #map}, {transform_indices = #map1}, {transform_indices = #map1}, {transform_indices = #map}, {transform_indices = #map}]} {
    %mul3A = arith.constant 2 : i32
    %mul3A_0 = arith.muli %arg1, %mul3A : i32
    %add3A = arith.addi %mul3A_0, %arg0 : i32
    %mul3A_1 = arith.constant 5120 : i32
    %mul3A_2 = arith.muli %add3A, %mul3A_1 : i32
    %scan3A = arith.constant 0 : i32
    %scan3A_3 = arith.constant 0 : i32
    %scan3A_4 = arith.constant 40 : i32
    %scan3A_5 = arith.addi %scan3A_3, %scan3A_4 : i32
    %scan3A_6 = arith.constant 1 : i32
    scf.for %scan3A_8 = %scan3A_3 to %scan3A_5 step %scan3A_6  : i32 {
      %mul3A_9 = arith.constant 128 : i32
      %mul3A_10 = arith.muli %scan3A_8, %mul3A_9 : i32
      %add3A_11 = arith.addi %mul3A_2, %mul3A_10 : i32
      "tpu.region"() ({
        %run_scoped3A = tpu.sem_alloc : memref<!tpu.dma_semaphore, #tpu.memory_space<semaphore_mem>>
        %dma_start3A_22 = tpu.memref_slice %arg4[%add3A_11] : memref<163840xi32, #tpu.memory_space<hbm>> -> memref<128xi32, #tpu.memory_space<hbm>>
        %dma_start3A_23 = tpu.memref_slice %arg4[%add3A_11] : memref<163840xi32, #tpu.memory_space<hbm>> -> memref<128xi32, #tpu.memory_space<hbm>>
        tpu.enqueue_dma source(%dma_start3A_23 : memref<128xi32, #tpu.memory_space<hbm>>) target(%arg8 : memref<128xi32, #tpu.memory_space<vmem>>) target_semaphore(%run_scoped3A : memref<!tpu.dma_semaphore, #tpu.memory_space<semaphore_mem>>)
        %dma_wait3A_24 = tpu.memref_slice %arg4[%add3A_11] : memref<163840xi32, #tpu.memory_space<hbm>> -> memref<128xi32, #tpu.memory_space<hbm>>
        %dma_wait3A_25 = tpu.memref_slice %arg4[%add3A_11] : memref<163840xi32, #tpu.memory_space<hbm>> -> memref<128xi32, #tpu.memory_space<hbm>>
        tpu.wait_dma2 semaphore(%run_scoped3A : memref<!tpu.dma_semaphore, #tpu.memory_space<semaphore_mem>>) src(%dma_wait3A_25 : memref<128xi32, #tpu.memory_space<hbm>>) dst(%arg8 : memref<128xi32, #tpu.memory_space<vmem>>)
        tpu.yield
      }) : () -> ()
      "tpu.region"() ({
        %run_scoped3A = tpu.sem_alloc : memref<!tpu.dma_semaphore, #tpu.memory_space<semaphore_mem>>
        %dma_start3A_22 = tpu.memref_slice %arg5[%add3A_11] : memref<163840xi32, #tpu.memory_space<hbm>> -> memref<128xi32, #tpu.memory_space<hbm>>
        %dma_start3A_23 = tpu.memref_slice %arg5[%add3A_11] : memref<163840xi32, #tpu.memory_space<hbm>> -> memref<128xi32, #tpu.memory_space<hbm>>
        tpu.enqueue_dma source(%dma_start3A_23 : memref<128xi32, #tpu.memory_space<hbm>>) target(%arg9 : memref<128xi32, #tpu.memory_space<vmem>>) target_semaphore(%run_scoped3A : memref<!tpu.dma_semaphore, #tpu.memory_space<semaphore_mem>>)
        %dma_wait3A_24 = tpu.memref_slice %arg5[%add3A_11] : memref<163840xi32, #tpu.memory_space<hbm>> -> memref<128xi32, #tpu.memory_space<hbm>>
        %dma_wait3A_25 = tpu.memref_slice %arg5[%add3A_11] : memref<163840xi32, #tpu.memory_space<hbm>> -> memref<128xi32, #tpu.memory_space<hbm>>
        tpu.wait_dma2 semaphore(%run_scoped3A : memref<!tpu.dma_semaphore, #tpu.memory_space<semaphore_mem>>) src(%dma_wait3A_25 : memref<128xi32, #tpu.memory_space<hbm>>) dst(%arg9 : memref<128xi32, #tpu.memory_space<vmem>>)
        tpu.yield
      }) : () -> ()
      %dma_start3A = arith.constant 0 : i32
      %dma_start3A_12 = arith.constant 0 : i32
      %dma_start3A_13 = tpu.memref_slice %arg2[%dma_start3A, %dma_start3A_12] : memref<10000x128xf32, #tpu.memory_space<hbm>> -> memref<10000x128xf32, #tpu.memory_space<hbm>>
      tpu.enqueue_indirect_dma source(%dma_start3A_13 : memref<10000x128xf32, #tpu.memory_space<hbm>>) target(%arg10 : memref<128x128xf32, #tpu.memory_space<vmem>>) offsets(%arg8 : memref<128xi32, #tpu.memory_space<vmem>>) semaphore(%arg12 : memref<!tpu.dma_semaphore, #tpu.memory_space<semaphore_mem>>)
      %dma_start3A_14 = arith.constant 0 : i32
      %dma_start3A_15 = arith.constant 0 : i32
      %dma_start3A_16 = tpu.memref_slice %arg3[%dma_start3A_14, %dma_start3A_15] : memref<10000x128xf32, #tpu.memory_space<hbm>> -> memref<10000x128xf32, #tpu.memory_space<hbm>>
      tpu.enqueue_indirect_dma source(%dma_start3A_16 : memref<10000x128xf32, #tpu.memory_space<hbm>>) target(%arg11 : memref<128x128xf32, #tpu.memory_space<vmem>>) offsets(%arg9 : memref<128xi32, #tpu.memory_space<vmem>>) semaphore(%arg13 : memref<!tpu.dma_semaphore, #tpu.memory_space<semaphore_mem>>)
      %dma_wait3A = arith.constant 0 : i32
      %dma_wait3A_17 = arith.constant 0 : i32
      %dma_wait3A_18 = tpu.memref_slice %arg2[%dma_wait3A, %dma_wait3A_17] : memref<10000x128xf32, #tpu.memory_space<hbm>> -> memref<10000x128xf32, #tpu.memory_space<hbm>>
      tpu.wait_indirect_dma semaphore(%arg12 : memref<!tpu.dma_semaphore, #tpu.memory_space<semaphore_mem>>) src(%dma_wait3A_18 : memref<10000x128xf32, #tpu.memory_space<hbm>>) dst(%arg10 : memref<128x128xf32, #tpu.memory_space<vmem>>)
      %dma_wait3A_19 = arith.constant 0 : i32
      %dma_wait3A_20 = arith.constant 0 : i32
      %dma_wait3A_21 = tpu.memref_slice %arg3[%dma_wait3A_19, %dma_wait3A_20] : memref<10000x128xf32, #tpu.memory_space<hbm>> -> memref<10000x128xf32, #tpu.memory_space<hbm>>
      tpu.wait_indirect_dma semaphore(%arg13 : memref<!tpu.dma_semaphore, #tpu.memory_space<semaphore_mem>>) src(%dma_wait3A_21 : memref<10000x128xf32, #tpu.memory_space<hbm>>) dst(%arg11 : memref<128x128xf32, #tpu.memory_space<vmem>>)
      "tpu.region"() ({
        %run_scoped3A = tpu.sem_alloc : memref<!tpu.dma_semaphore, #tpu.memory_space<semaphore_mem>>
        %dma_start3A_22 = arith.constant 0 : i32
        %dma_start3A_23 = tpu.memref_slice %arg6[%add3A_11, %dma_start3A_22] : memref<163840x128xf32, #tpu.memory_space<hbm>> -> memref<128x128xf32, #tpu.memory_space<hbm>>
        %dma_start3A_24 = arith.constant 0 : i32
        %dma_start3A_25 = tpu.memref_slice %arg6[%add3A_11, %dma_start3A_24] : memref<163840x128xf32, #tpu.memory_space<hbm>> -> memref<128x128xf32, #tpu.memory_space<hbm>>
        tpu.enqueue_dma source(%arg10 : memref<128x128xf32, #tpu.memory_space<vmem>>) target(%dma_start3A_25 : memref<128x128xf32, #tpu.memory_space<hbm>>) target_semaphore(%run_scoped3A : memref<!tpu.dma_semaphore, #tpu.memory_space<semaphore_mem>>)
        %dma_wait3A_26 = arith.constant 0 : i32
        %dma_wait3A_27 = tpu.memref_slice %arg6[%add3A_11, %dma_wait3A_26] : memref<163840x128xf32, #tpu.memory_space<hbm>> -> memref<128x128xf32, #tpu.memory_space<hbm>>
        %dma_wait3A_28 = arith.constant 0 : i32
        %dma_wait3A_29 = tpu.memref_slice %arg6[%add3A_11, %dma_wait3A_28] : memref<163840x128xf32, #tpu.memory_space<hbm>> -> memref<128x128xf32, #tpu.memory_space<hbm>>
        tpu.wait_dma2 semaphore(%run_scoped3A : memref<!tpu.dma_semaphore, #tpu.memory_space<semaphore_mem>>) src(%arg10 : memref<128x128xf32, #tpu.memory_space<vmem>>) dst(%dma_wait3A_29 : memref<128x128xf32, #tpu.memory_space<hbm>>)
        tpu.yield
      }) : () -> ()
      "tpu.region"() ({
        %run_scoped3A = tpu.sem_alloc : memref<!tpu.dma_semaphore, #tpu.memory_space<semaphore_mem>>
        %dma_start3A_22 = arith.constant 0 : i32
        %dma_start3A_23 = tpu.memref_slice %arg7[%add3A_11, %dma_start3A_22] : memref<163840x128xf32, #tpu.memory_space<hbm>> -> memref<128x128xf32, #tpu.memory_space<hbm>>
        %dma_start3A_24 = arith.constant 0 : i32
        %dma_start3A_25 = tpu.memref_slice %arg7[%add3A_11, %dma_start3A_24] : memref<163840x128xf32, #tpu.memory_space<hbm>> -> memref<128x128xf32, #tpu.memory_space<hbm>>
        tpu.enqueue_dma source(%arg11 : memref<128x128xf32, #tpu.memory_space<vmem>>) target(%dma_start3A_25 : memref<128x128xf32, #tpu.memory_space<hbm>>) target_semaphore(%run_scoped3A : memref<!tpu.dma_semaphore, #tpu.memory_space<semaphore_mem>>)
        %dma_wait3A_26 = arith.constant 0 : i32
        %dma_wait3A_27 = tpu.memref_slice %arg7[%add3A_11, %dma_wait3A_26] : memref<163840x128xf32, #tpu.memory_space<hbm>> -> memref<128x128xf32, #tpu.memory_space<hbm>>
        %dma_wait3A_28 = arith.constant 0 : i32
        %dma_wait3A_29 = tpu.memref_slice %arg7[%add3A_11, %dma_wait3A_28] : memref<163840x128xf32, #tpu.memory_space<hbm>> -> memref<128x128xf32, #tpu.memory_space<hbm>>
        tpu.wait_dma2 semaphore(%run_scoped3A : memref<!tpu.dma_semaphore, #tpu.memory_space<semaphore_mem>>) src(%arg11 : memref<128x128xf32, #tpu.memory_space<vmem>>) dst(%dma_wait3A_29 : memref<128x128xf32, #tpu.memory_space<hbm>>)
        tpu.yield
      }) : () -> ()
    }
    %scan3A_7 = arith.constant 40 : i32
    return
  }
}

module attributes {stable_mosaic.version = 14 : i64} {
  func.func @_prep_nodes_body(%arg0: i32, %arg1: memref<1000x128xf32, #tpu.memory_space<vmem>>, %arg2: memref<1x128xf32, #tpu.memory_space<vmem>>, %arg3: memref<1x128xf32, #tpu.memory_space<vmem>>, %arg4: memref<128x128xf32, #tpu.memory_space<vmem>>, %arg5: memref<128x128xf32, #tpu.memory_space<vmem>>, %arg6: memref<1000x128xf32, #tpu.memory_space<vmem>>, %arg7: memref<1000x128xf32, #tpu.memory_space<vmem>>, %arg8: memref<1000x128xf32, #tpu.memory_space<vmem>>) attributes {dimension_semantics = [#tpu.dimension_semantics<arbitrary>], iteration_bounds = array<i64: 10>, scalar_prefetch = 0 : i64, scratch_operands = 0 : i64, tpu.core_type = #tpu.core_type<tc>, window_params = [{transform_indices = @transform_0, window_bounds = array<i64: 1000, 128>}, {pipeline_mode = #tpu.pipeline_mode<synchronous>, transform_indices = @transform_1, window_bounds = array<i64: 1, 128>}, {pipeline_mode = #tpu.pipeline_mode<synchronous>, transform_indices = @transform_2, window_bounds = array<i64: 1, 128>}, {pipeline_mode = #tpu.pipeline_mode<synchronous>, transform_indices = @transform_3, window_bounds = array<i64: 128, 128>}, {pipeline_mode = #tpu.pipeline_mode<synchronous>, transform_indices = @transform_4, window_bounds = array<i64: 128, 128>}, {transform_indices = @transform_5, window_bounds = array<i64: 1000, 128>}, {transform_indices = @transform_6, window_bounds = array<i64: 1000, 128>}, {transform_indices = @transform_7, window_bounds = array<i64: 1000, 128>}]} {
    %get3A = arith.constant 0 : index
    %get3A_0 = arith.constant 0 : index
    %get3A_1 = vector.load %arg1[%get3A, %get3A_0] : memref<1000x128xf32, #tpu.memory_space<vmem>>, vector<1000x128xf32>
    %reduce_sum3A = arith.constant dense<0.000000e+00> : vector<1000xf32>
    %reduce_sum3A_2 = vector.multi_reduction <add>, %get3A_1, %reduce_sum3A [1] : vector<1000x128xf32> to vector<1000xf32>
    %broadcast_in_dim3A = vector.shape_cast %reduce_sum3A_2 : vector<1000xf32> to vector<1000x1xf32>
    %div3A = arith.constant 1.280000e+02 : f32
    %div3A_3 = vector.broadcast %div3A : f32 to vector<1000x1xf32>
    %div3A_4 = arith.divf %broadcast_in_dim3A, %div3A_3 : vector<1000x1xf32>
    %sub3A = vector.broadcast %div3A_4 : vector<1000x1xf32> to vector<1000x128xf32>
    %sub3A_5 = arith.subf %get3A_1, %sub3A : vector<1000x128xf32>
    %mul3A = arith.mulf %sub3A_5, %sub3A_5 : vector<1000x128xf32>
    %reduce_sum3A_6 = arith.constant dense<0.000000e+00> : vector<1000xf32>
    %reduce_sum3A_7 = vector.multi_reduction <add>, %mul3A, %reduce_sum3A_6 [1] : vector<1000x128xf32> to vector<1000xf32>
    %broadcast_in_dim3A_8 = vector.shape_cast %reduce_sum3A_7 : vector<1000xf32> to vector<1000x1xf32>
    %div3A_9 = arith.constant 1.280000e+02 : f32
    %div3A_10 = vector.broadcast %div3A_9 : f32 to vector<1000x1xf32>
    %div3A_11 = arith.divf %broadcast_in_dim3A_8, %div3A_10 : vector<1000x1xf32>
    %add3A = arith.constant 9.99999974E-6 : f32
    %add3A_12 = vector.broadcast %add3A : f32 to vector<1000x1xf32>
    %add3A_13 = arith.addf %div3A_11, %add3A_12 : vector<1000x1xf32>
    %rsqrt3A = math.rsqrt %add3A_13 : vector<1000x1xf32>
    %mul3A_14 = vector.broadcast %rsqrt3A : vector<1000x1xf32> to vector<1000x128xf32>
    %mul3A_15 = arith.mulf %sub3A_5, %mul3A_14 : vector<1000x128xf32>
    %get3A_16 = arith.constant 0 : index
    %get3A_17 = arith.constant 0 : index
    %get3A_18 = vector.load %arg2[%get3A_16, %get3A_17] : memref<1x128xf32, #tpu.memory_space<vmem>>, vector<1x128xf32>
    %mul3A_19 = vector.broadcast %get3A_18 : vector<1x128xf32> to vector<1000x128xf32>
    %mul3A_20 = arith.mulf %mul3A_15, %mul3A_19 : vector<1000x128xf32>
    %get3A_21 = arith.constant 0 : index
    %get3A_22 = arith.constant 0 : index
    %get3A_23 = vector.load %arg3[%get3A_21, %get3A_22] : memref<1x128xf32, #tpu.memory_space<vmem>>, vector<1x128xf32>
    %add3A_24 = vector.broadcast %get3A_23 : vector<1x128xf32> to vector<1000x128xf32>
    %add3A_25 = arith.addf %mul3A_20, %add3A_24 : vector<1000x128xf32>
    %swap3A = arith.constant 0 : index
    %swap3A_26 = arith.constant 0 : index
    %swap3A_27 = vector.load %arg6[%swap3A, %swap3A_26] : memref<1000x128xf32, #tpu.memory_space<vmem>>, vector<1000x128xf32>
    tpu.vector_store %arg6[%swap3A, %swap3A_26], %add3A_25 {strides = array<i32>} : memref<1000x128xf32, #tpu.memory_space<vmem>>, vector<1000x128xf32>,
    %get3A_28 = arith.constant 0 : index
    %get3A_29 = arith.constant 0 : index
    %get3A_30 = vector.load %arg4[%get3A_28, %get3A_29] : memref<128x128xf32, #tpu.memory_space<vmem>>, vector<128x128xf32>
    %dot_general3A = arith.constant dense<0.000000e+00> : vector<1000x128xf32>
    %dot_general3A_31 = tpu.matmul %add3A_25, %get3A_30, %dot_general3A {dimension_numbers = #tpu.dot_dimension_numbers<[1], [0], [0], [1], [0, 0, 1, 1], [], []>, transpose_lhs_hint = false} : vector<1000x128xf32>, vector<128x128xf32>, vector<1000x128xf32> -> vector<1000x128xf32>
    %swap3A_32 = arith.constant 0 : index
    %swap3A_33 = arith.constant 0 : index
    %swap3A_34 = vector.load %arg7[%swap3A_32, %swap3A_33] : memref<1000x128xf32, #tpu.memory_space<vmem>>, vector<1000x128xf32>
    tpu.vector_store %arg7[%swap3A_32, %swap3A_33], %dot_general3A_31 {strides = array<i32>} : memref<1000x128xf32, #tpu.memory_space<vmem>>, vector<1000x128xf32>,
    %get3A_35 = arith.constant 0 : index
    %get3A_36 = arith.constant 0 : index
    %get3A_37 = vector.load %arg5[%get3A_35, %get3A_36] : memref<128x128xf32, #tpu.memory_space<vmem>>, vector<128x128xf32>
    %dot_general3A_38 = arith.constant dense<0.000000e+00> : vector<1000x128xf32>
    %dot_general3A_39 = tpu.matmul %add3A_25, %get3A_37, %dot_general3A_38 {dimension_numbers = #tpu.dot_dimension_numbers<[1], [0], [0], [1], [0, 0, 1, 1], [], []>, transpose_lhs_hint = false} : vector<1000x128xf32>, vector<128x128xf32>, vector<1000x128xf32> -> vector<1000x128xf32>
    %swap3A_40 = arith.constant 0 : index
    %swap3A_41 = arith.constant 0 : index
    %swap3A_42 = vector.load %arg8[%swap3A_40, %swap3A_41] : memref<1000x128xf32, #tpu.memory_space<vmem>>, vector<1000x128xf32>
    tpu.vector_store %arg8[%swap3A_40, %swap3A_41], %dot_general3A_39 {strides = array<i32>} : memref<1000x128xf32, #tpu.memory_space<vmem>>, vector<1000x128xf32>,
    return
  }
  func.func @transform_0(%arg0: i32) -> (i32, i32) {
    %c0_i32 = arith.constant 0 : i32
    %c0_i32_0 = arith.constant 0 : i32
    return %arg0, %c0_i32 : i32, i32
  }
  func.func @transform_1(%arg0: i32) -> (i32, i32) {
    %c0_i32 = arith.constant 0 : i32
    %c0_i32_0 = arith.constant 0 : i32
    %c0_i32_1 = arith.constant 0 : i32
    return %c0_i32, %c0_i32_0 : i32, i32
  }
  func.func @transform_2(%arg0: i32) -> (i32, i32) {
    %c0_i32 = arith.constant 0 : i32
    %c0_i32_0 = arith.constant 0 : i32
    %c0_i32_1 = arith.constant 0 : i32
    return %c0_i32, %c0_i32_0 : i32, i32
  }
  func.func @transform_3(%arg0: i32) -> (i32, i32) {
    %c0_i32 = arith.constant 0 : i32
    %c0_i32_0 = arith.constant 0 : i32
    %c0_i32_1 = arith.constant 0 : i32
    return %c0_i32, %c0_i32_0 : i32, i32
  }
  func.func @transform_4(%arg0: i32) -> (i32, i32) {
    %c0_i32 = arith.constant 0 : i32
    %c0_i32_0 = arith.constant 0 : i32
    %c0_i32_1 = arith.constant 0 : i32
    return %c0_i32, %c0_i32_0 : i32, i32
  }
  func.func @transform_5(%arg0: i32) -> (i32, i32) {
    %c0_i32 = arith.constant 0 : i32
    %c0_i32_0 = arith.constant 0 : i32
    return %arg0, %c0_i32 : i32, i32
  }
  func.func @transform_6(%arg0: i32) -> (i32, i32) {
    %c0_i32 = arith.constant 0 : i32
    %c0_i32_0 = arith.constant 0 : i32
    return %arg0, %c0_i32 : i32, i32
  }
  func.func @transform_7(%arg0: i32) -> (i32, i32) {
    %c0_i32 = arith.constant 0 : i32
    %c0_i32_0 = arith.constant 0 : i32
    return %arg0, %c0_i32 : i32, i32
  }
}

module attributes {stable_mosaic.version = 14 : i64} {
  func.func @_graph_body(%arg0: memref<512x8xf32, #tpu.memory_space<vmem>>, %arg1: memref<8x128xf32, #tpu.memory_space<vmem>>, %arg2: memref<1x128xf32, #tpu.memory_space<vmem>>, %arg3: memref<512x144xf32, #tpu.memory_space<vmem>>) attributes {dimension_semantics = [], scalar_prefetch = 0 : i64, scratch_operands = 0 : i64, tpu.core_type = #tpu.core_type<tc>} {
    %get3A = arith.constant 0 : index
    %get3A_0 = arith.constant 0 : index
    %get3A_1 = vector.load %arg0[%get3A, %get3A_0] : memref<512x8xf32, #tpu.memory_space<vmem>>, vector<512x8xf32>
    %slice3A = vector.extract_strided_slice %get3A_1 {offsets = [0, 3], sizes = [512, 3], strides = [1, 1]} : vector<512x8xf32> to vector<512x3xf32>
    %mul3A = arith.constant 0.0174532924 : f32
    %mul3A_2 = vector.broadcast %mul3A : f32 to vector<512x3xf32>
    %mul3A_3 = arith.mulf %slice3A, %mul3A_2 : vector<512x3xf32>
    %cos3A = math.cos %mul3A_3 : vector<512x3xf32>
    %sin3A = math.sin %mul3A_3 : vector<512x3xf32>
    %slice3A_4 = vector.extract_strided_slice %cos3A {offsets = [0, 0], sizes = [512, 1], strides = [1, 1]} : vector<512x3xf32> to vector<512x1xf32>
    %slice3A_5 = vector.extract_strided_slice %cos3A {offsets = [0, 1], sizes = [512, 1], strides = [1, 1]} : vector<512x3xf32> to vector<512x1xf32>
    %slice3A_6 = vector.extract_strided_slice %cos3A {offsets = [0, 2], sizes = [512, 1], strides = [1, 1]} : vector<512x3xf32> to vector<512x1xf32>
    %slice3A_7 = vector.extract_strided_slice %sin3A {offsets = [0, 0], sizes = [512, 1], strides = [1, 1]} : vector<512x3xf32> to vector<512x1xf32>
    %slice3A_8 = vector.extract_strided_slice %sin3A {offsets = [0, 1], sizes = [512, 1], strides = [1, 1]} : vector<512x3xf32> to vector<512x1xf32>
    %mul3A_9 = arith.mulf %slice3A_4, %slice3A_5 : vector<512x1xf32>
    %sub3A = arith.subf %mul3A_9, %slice3A_6 : vector<512x1xf32>
    %mul3A_10 = arith.mulf %slice3A_7, %slice3A_8 : vector<512x1xf32>
    %div3A = arith.divf %sub3A, %mul3A_10 : vector<512x1xf32>
    %jit3A = arith.constant -1.000000e+00 : f32
    %jit3A_11 = arith.constant 1.000000e+00 : f32
    %max3A = vector.broadcast %jit3A : f32 to vector<512x1xf32>
    %max3A_12 = arith.maximumf %max3A, %div3A : vector<512x1xf32>
    %min3A = vector.broadcast %jit3A_11 : f32 to vector<512x1xf32>
    %min3A_13 = arith.minimumf %min3A, %max3A_12 : vector<512x1xf32>
    %mul3A_14 = arith.mulf %min3A_13, %min3A_13 : vector<512x1xf32>
    %sub3A_15 = arith.constant 1.000000e+00 : f32
    %sub3A_16 = vector.broadcast %sub3A_15 : f32 to vector<512x1xf32>
    %sub3A_17 = arith.subf %sub3A_16, %mul3A_14 : vector<512x1xf32>
    %max3A_18 = arith.constant 0.000000e+00 : f32
    %max3A_19 = vector.broadcast %max3A_18 : f32 to vector<512x1xf32>
    %max3A_20 = arith.maximumf %sub3A_17, %max3A_19 : vector<512x1xf32>
    %sqrt3A = math.sqrt %max3A_20 : vector<512x1xf32>
    %broadcast_in_dim3A = arith.constant 0.000000e+00 : f32
    %broadcast_in_dim3A_21 = vector.broadcast %broadcast_in_dim3A : f32 to vector<512x1xf32>
    %broadcast_in_dim3A_22 = arith.constant 1.000000e+00 : f32
    %broadcast_in_dim3A_23 = vector.broadcast %broadcast_in_dim3A_22 : f32 to vector<512x1xf32>
    %neg3A = arith.constant 0.000000e+00 : f32
    %neg3A_24 = vector.broadcast %neg3A : f32 to vector<512x1xf32>
    %neg3A_25 = arith.subf %neg3A_24, %slice3A_7 : vector<512x1xf32>
    %mul3A_26 = arith.mulf %neg3A_25, %min3A_13 : vector<512x1xf32>
    %mul3A_27 = arith.mulf %slice3A_7, %sqrt3A : vector<512x1xf32>
    %concatenate3A = tpu.concatenate %slice3A_8, %broadcast_in_dim3A_21, %slice3A_5, %mul3A_26, %mul3A_27, %slice3A_4, %broadcast_in_dim3A_21, %broadcast_in_dim3A_21, %broadcast_in_dim3A_23 in 1 : vector<512x1xf32>, vector<512x1xf32>, vector<512x1xf32>, vector<512x1xf32>, vector<512x1xf32>, vector<512x1xf32>, vector<512x1xf32>, vector<512x1xf32>, vector<512x1xf32> -> vector<512x9xf32>
    %get3A_28 = arith.constant 0 : index
    %get3A_29 = arith.constant 0 : index
    %get3A_30 = vector.load %arg1[%get3A_28, %get3A_29] : memref<8x128xf32, #tpu.memory_space<vmem>>, vector<8x128xf32>
    %dot_general3A = arith.constant dense<0.000000e+00> : vector<512x128xf32>
    %dot_general3A_31 = tpu.matmul %get3A_1, %get3A_30, %dot_general3A {dimension_numbers = #tpu.dot_dimension_numbers<[1], [0], [0], [1], [0, 0, 1, 1], [], []>, transpose_lhs_hint = false} : vector<512x8xf32>, vector<8x128xf32>, vector<512x128xf32> -> vector<512x128xf32>
    %get3A_32 = arith.constant 0 : index
    %get3A_33 = arith.constant 0 : index
    %get3A_34 = vector.load %arg2[%get3A_32, %get3A_33] : memref<1x128xf32, #tpu.memory_space<vmem>>, vector<1x128xf32>
    %add3A = vector.broadcast %get3A_34 : vector<1x128xf32> to vector<512x128xf32>
    %add3A_35 = arith.addf %dot_general3A_31, %add3A : vector<512x128xf32>
    %broadcast_in_dim3A_36 = arith.constant 0.000000e+00 : f32
    %broadcast_in_dim3A_37 = vector.broadcast %broadcast_in_dim3A_36 : f32 to vector<512x7xf32>
    %concatenate3A_38 = tpu.concatenate %add3A_35, %concatenate3A, %broadcast_in_dim3A_37 in 1 : vector<512x128xf32>, vector<512x9xf32>, vector<512x7xf32> -> vector<512x144xf32>
    %swap3A = arith.constant 0 : index
    %swap3A_39 = arith.constant 0 : index
    %swap3A_40 = vector.load %arg3[%swap3A, %swap3A_39] : memref<512x144xf32, #tpu.memory_space<vmem>>, vector<512x144xf32>
    tpu.vector_store %arg3[%swap3A, %swap3A_39], %concatenate3A_38 {strides = array<i32>} : memref<512x144xf32, #tpu.memory_space<vmem>>, vector<512x144xf32>,
    return
  }
}

module attributes {stable_mosaic.version = 14 : i64} {
  func.func @_edge_body(%arg0: i32, %arg1: memref<2048x128xf32, #tpu.memory_space<vmem>>, %arg2: memref<2048x128xf32, #tpu.memory_space<vmem>>, %arg3: memref<2048x128xf32, #tpu.memory_space<vmem>>, %arg4: memref<2048x4xf32, #tpu.memory_space<vmem>>, %arg5: memref<2048x1xi32, #tpu.memory_space<vmem>>, %arg6: memref<512x144xf32, #tpu.memory_space<vmem>>, %arg7: memref<128x128xf32, #tpu.memory_space<vmem>>, %arg8: memref<192x128xf32, #tpu.memory_space<vmem>>, %arg9: memref<192x128xf32, #tpu.memory_space<vmem>>, %arg10: memref<128x128xf32, #tpu.memory_space<vmem>>, %arg11: memref<1x128xf32, #tpu.memory_space<vmem>>, %arg12: memref<2048x144xf32, #tpu.memory_space<vmem>>) attributes {dimension_semantics = [#tpu.dimension_semantics<arbitrary>], iteration_bounds = array<i64: 80>, scalar_prefetch = 0 : i64, scratch_operands = 0 : i64, tpu.core_type = #tpu.core_type<tc>, window_params = [{transform_indices = @transform_0, window_bounds = array<i64: 2048, 128>}, {transform_indices = @transform_1, window_bounds = array<i64: 2048, 128>}, {transform_indices = @transform_2, window_bounds = array<i64: 2048, 128>}, {transform_indices = @transform_3, window_bounds = array<i64: 2048, 4>}, {transform_indices = @transform_4, window_bounds = array<i64: 2048, 1>}, {pipeline_mode = #tpu.pipeline_mode<synchronous>, transform_indices = @transform_5, window_bounds = array<i64: 512, 144>}, {pipeline_mode = #tpu.pipeline_mode<synchronous>, transform_indices = @transform_6, window_bounds = array<i64: 128, 128>}, {pipeline_mode = #tpu.pipeline_mode<synchronous>, transform_indices = @transform_7, window_bounds = array<i64: 192, 128>}, {pipeline_mode = #tpu.pipeline_mode<synchronous>, transform_indices = @transform_8, window_bounds = array<i64: 192, 128>}, {pipeline_mode = #tpu.pipeline_mode<synchronous>, transform_indices = @transform_9, window_bounds = array<i64: 128, 128>}, {pipeline_mode = #tpu.pipeline_mode<synchronous>, transform_indices = @transform_10, window_bounds = array<i64: 1, 128>}, {transform_indices = @transform_11, window_bounds = array<i64: 2048, 144>}]} {
    %get3A = arith.constant 0 : index
    %get3A_0 = arith.constant 0 : index
    %get3A_1 = vector.load %arg5[%get3A, %get3A_0] : memref<2048x1xi32, #tpu.memory_space<vmem>>, vector<2048x1xi32>
    %iota3A = tpu.iota {dimensions = array<i32: 1>} : vector<2048x512xi32>
    %eq3A = vector.broadcast %get3A_1 : vector<2048x1xi32> to vector<2048x512xi32>
    %eq3A_2 = arith.cmpi eq, %eq3A, %iota3A : vector<2048x512xi32>
    %jit3A = arith.constant 1.000000e+00 : f32
    %jit3A_3 = arith.constant 0.000000e+00 : f32
    %broadcast_in_dim3A = vector.broadcast %jit3A : f32 to vector<2048x512xf32>
    %broadcast_in_dim3A_4 = vector.broadcast %jit3A_3 : f32 to vector<2048x512xf32>
    %select_n3A = arith.select %eq3A_2, %broadcast_in_dim3A, %broadcast_in_dim3A_4 : vector<2048x512xi1>, vector<2048x512xf32>
    %get3A_5 = arith.constant 0 : index
    %get3A_6 = arith.constant 0 : index
    %get3A_7 = vector.load %arg6[%get3A_5, %get3A_6] : memref<512x144xf32, #tpu.memory_space<vmem>>, vector<512x144xf32>
    %dot_general3A = arith.constant dense<0.000000e+00> : vector<2048x144xf32>
    %dot_general3A_8 = tpu.matmul %select_n3A, %get3A_7, %dot_general3A {dimension_numbers = #tpu.dot_dimension_numbers<[1], [0], [0], [1], [0, 0, 1, 1], [], []>, transpose_lhs_hint = false} : vector<2048x512xf32>, vector<512x144xf32>, vector<2048x144xf32> -> vector<2048x144xf32>
    %get3A_9 = arith.constant 0 : index
    %get3A_10 = arith.constant 0 : index
    %get3A_11 = vector.load %arg1[%get3A_9, %get3A_10] : memref<2048x128xf32, #tpu.memory_space<vmem>>, vector<2048x128xf32>
    %get3A_12 = arith.constant 0 : index
    %get3A_13 = arith.constant 0 : index
    %get3A_14 = vector.load %arg7[%get3A_12, %get3A_13] : memref<128x128xf32, #tpu.memory_space<vmem>>, vector<128x128xf32>
    %dot_general3A_15 = arith.constant dense<0.000000e+00> : vector<2048x128xf32>
    %dot_general3A_16 = tpu.matmul %get3A_11, %get3A_14, %dot_general3A_15 {dimension_numbers = #tpu.dot_dimension_numbers<[1], [0], [0], [1], [0, 0, 1, 1], [], []>, transpose_lhs_hint = false} : vector<2048x128xf32>, vector<128x128xf32>, vector<2048x128xf32> -> vector<2048x128xf32>
    %get3A_17 = arith.constant 0 : index
    %get3A_18 = arith.constant 0 : index
    %get3A_19 = vector.load %arg2[%get3A_17, %get3A_18] : memref<2048x128xf32, #tpu.memory_space<vmem>>, vector<2048x128xf32>
    %add3A = arith.addf %dot_general3A_16, %get3A_19 : vector<2048x128xf32>
    %get3A_20 = arith.constant 0 : index
    %get3A_21 = arith.constant 0 : index
    %get3A_22 = vector.load %arg3[%get3A_20, %get3A_21] : memref<2048x128xf32, #tpu.memory_space<vmem>>, vector<2048x128xf32>
    %add3A_23 = arith.addf %add3A, %get3A_22 : vector<2048x128xf32>
    %slice3A = vector.extract_strided_slice %dot_general3A_8 {offsets = [0, 0], sizes = [2048, 128], strides = [1, 1]} : vector<2048x144xf32> to vector<2048x128xf32>
    %add3A_24 = arith.addf %add3A_23, %slice3A : vector<2048x128xf32>
    %get3A_25 = arith.constant 0 : index
    %get3A_26 = arith.constant 0 : index
    %get3A_27 = vector.load %arg4[%get3A_25, %get3A_26] : memref<2048x4xf32, #tpu.memory_space<vmem>>, vector<2048x4xf32>
    %iota3A_28 = tpu.iota {dimensions = array<i32: 1>} : vector<1x64xi32>
    %convert_element_type3A = arith.sitofp %iota3A_28 : vector<1x64xi32> to vector<1x64xf32>
    %mul3A = arith.constant 6.28318548 : f32
    %mul3A_29 = vector.broadcast %mul3A : f32 to vector<1x64xf32>
    %mul3A_30 = arith.mulf %mul3A_29, %convert_element_type3A : vector<1x64xf32>
    %slice3A_31 = vector.extract_strided_slice %get3A_27 {offsets = [0, 0], sizes = [2048, 1], strides = [1, 1]} : vector<2048x4xf32> to vector<2048x1xf32>
    %slice3A_32 = vector.extract_strided_slice %dot_general3A_8 {offsets = [0, 128], sizes = [2048, 1], strides = [1, 1]} : vector<2048x144xf32> to vector<2048x1xf32>
    %mul3A_33 = arith.mulf %slice3A_31, %slice3A_32 : vector<2048x1xf32>
    %slice3A_34 = vector.extract_strided_slice %get3A_27 {offsets = [0, 1], sizes = [2048, 1], strides = [1, 1]} : vector<2048x4xf32> to vector<2048x1xf32>
    %slice3A_35 = vector.extract_strided_slice %dot_general3A_8 {offsets = [0, 129], sizes = [2048, 1], strides = [1, 1]} : vector<2048x144xf32> to vector<2048x1xf32>
    %mul3A_36 = arith.mulf %slice3A_34, %slice3A_35 : vector<2048x1xf32>
    %add3A_37 = arith.addf %mul3A_33, %mul3A_36 : vector<2048x1xf32>
    %slice3A_38 = vector.extract_strided_slice %get3A_27 {offsets = [0, 2], sizes = [2048, 1], strides = [1, 1]} : vector<2048x4xf32> to vector<2048x1xf32>
    %slice3A_39 = vector.extract_strided_slice %dot_general3A_8 {offsets = [0, 130], sizes = [2048, 1], strides = [1, 1]} : vector<2048x144xf32> to vector<2048x1xf32>
    %mul3A_40 = arith.mulf %slice3A_38, %slice3A_39 : vector<2048x1xf32>
    %add3A_41 = arith.addf %add3A_37, %mul3A_40 : vector<2048x1xf32>
    %mul3A_42 = vector.broadcast %add3A_41 : vector<2048x1xf32> to vector<2048x64xf32>
    %mul3A_43 = vector.broadcast %mul3A_30 : vector<1x64xf32> to vector<2048x64xf32>
    %mul3A_44 = arith.mulf %mul3A_42, %mul3A_43 : vector<2048x64xf32>
    %slice3A_45 = vector.extract_strided_slice %get3A_27 {offsets = [0, 0], sizes = [2048, 1], strides = [1, 1]} : vector<2048x4xf32> to vector<2048x1xf32>
    %slice3A_46 = vector.extract_strided_slice %dot_general3A_8 {offsets = [0, 131], sizes = [2048, 1], strides = [1, 1]} : vector<2048x144xf32> to vector<2048x1xf32>
    %mul3A_47 = arith.mulf %slice3A_45, %slice3A_46 : vector<2048x1xf32>
    %slice3A_48 = vector.extract_strided_slice %get3A_27 {offsets = [0, 1], sizes = [2048, 1], strides = [1, 1]} : vector<2048x4xf32> to vector<2048x1xf32>
    %slice3A_49 = vector.extract_strided_slice %dot_general3A_8 {offsets = [0, 132], sizes = [2048, 1], strides = [1, 1]} : vector<2048x144xf32> to vector<2048x1xf32>
    %mul3A_50 = arith.mulf %slice3A_48, %slice3A_49 : vector<2048x1xf32>
    %add3A_51 = arith.addf %mul3A_47, %mul3A_50 : vector<2048x1xf32>
    %slice3A_52 = vector.extract_strided_slice %get3A_27 {offsets = [0, 2], sizes = [2048, 1], strides = [1, 1]} : vector<2048x4xf32> to vector<2048x1xf32>
    %slice3A_53 = vector.extract_strided_slice %dot_general3A_8 {offsets = [0, 133], sizes = [2048, 1], strides = [1, 1]} : vector<2048x144xf32> to vector<2048x1xf32>
    %mul3A_54 = arith.mulf %slice3A_52, %slice3A_53 : vector<2048x1xf32>
    %add3A_55 = arith.addf %add3A_51, %mul3A_54 : vector<2048x1xf32>
    %mul3A_56 = vector.broadcast %add3A_55 : vector<2048x1xf32> to vector<2048x64xf32>
    %mul3A_57 = vector.broadcast %mul3A_30 : vector<1x64xf32> to vector<2048x64xf32>
    %mul3A_58 = arith.mulf %mul3A_56, %mul3A_57 : vector<2048x64xf32>
    %slice3A_59 = vector.extract_strided_slice %get3A_27 {offsets = [0, 0], sizes = [2048, 1], strides = [1, 1]} : vector<2048x4xf32> to vector<2048x1xf32>
    %slice3A_60 = vector.extract_strided_slice %dot_general3A_8 {offsets = [0, 134], sizes = [2048, 1], strides = [1, 1]} : vector<2048x144xf32> to vector<2048x1xf32>
    %mul3A_61 = arith.mulf %slice3A_59, %slice3A_60 : vector<2048x1xf32>
    %slice3A_62 = vector.extract_strided_slice %get3A_27 {offsets = [0, 1], sizes = [2048, 1], strides = [1, 1]} : vector<2048x4xf32> to vector<2048x1xf32>
    %slice3A_63 = vector.extract_strided_slice %dot_general3A_8 {offsets = [0, 135], sizes = [2048, 1], strides = [1, 1]} : vector<2048x144xf32> to vector<2048x1xf32>
    %mul3A_64 = arith.mulf %slice3A_62, %slice3A_63 : vector<2048x1xf32>
    %add3A_65 = arith.addf %mul3A_61, %mul3A_64 : vector<2048x1xf32>
    %slice3A_66 = vector.extract_strided_slice %get3A_27 {offsets = [0, 2], sizes = [2048, 1], strides = [1, 1]} : vector<2048x4xf32> to vector<2048x1xf32>
    %slice3A_67 = vector.extract_strided_slice %dot_general3A_8 {offsets = [0, 136], sizes = [2048, 1], strides = [1, 1]} : vector<2048x144xf32> to vector<2048x1xf32>
    %mul3A_68 = arith.mulf %slice3A_66, %slice3A_67 : vector<2048x1xf32>
    %add3A_69 = arith.addf %add3A_65, %mul3A_68 : vector<2048x1xf32>
    %mul3A_70 = vector.broadcast %add3A_69 : vector<2048x1xf32> to vector<2048x64xf32>
    %mul3A_71 = vector.broadcast %mul3A_30 : vector<1x64xf32> to vector<2048x64xf32>
    %mul3A_72 = arith.mulf %mul3A_70, %mul3A_71 : vector<2048x64xf32>
    %concatenate3A = tpu.concatenate %mul3A_44, %mul3A_58, %mul3A_72 in 1 : vector<2048x64xf32>, vector<2048x64xf32>, vector<2048x64xf32> -> vector<2048x192xf32>
    %sin3A = math.sin %concatenate3A : vector<2048x192xf32>
    %get3A_73 = arith.constant 0 : index
    %get3A_74 = arith.constant 0 : index
    %get3A_75 = vector.load %arg8[%get3A_73, %get3A_74] : memref<192x128xf32, #tpu.memory_space<vmem>>, vector<192x128xf32>
    %dot_general3A_76 = arith.constant dense<0.000000e+00> : vector<2048x128xf32>
    %dot_general3A_77 = tpu.matmul %sin3A, %get3A_75, %dot_general3A_76 {dimension_numbers = #tpu.dot_dimension_numbers<[1], [0], [0], [1], [0, 0, 1, 1], [], []>, transpose_lhs_hint = false} : vector<2048x192xf32>, vector<192x128xf32>, vector<2048x128xf32> -> vector<2048x128xf32>
    %add3A_78 = arith.addf %add3A_24, %dot_general3A_77 : vector<2048x128xf32>
    %cos3A = math.cos %concatenate3A : vector<2048x192xf32>
    %get3A_79 = arith.constant 0 : index
    %get3A_80 = arith.constant 0 : index
    %get3A_81 = vector.load %arg9[%get3A_79, %get3A_80] : memref<192x128xf32, #tpu.memory_space<vmem>>, vector<192x128xf32>
    %dot_general3A_82 = arith.constant dense<0.000000e+00> : vector<2048x128xf32>
    %dot_general3A_83 = tpu.matmul %cos3A, %get3A_81, %dot_general3A_82 {dimension_numbers = #tpu.dot_dimension_numbers<[1], [0], [0], [1], [0, 0, 1, 1], [], []>, transpose_lhs_hint = false} : vector<2048x192xf32>, vector<192x128xf32>, vector<2048x128xf32> -> vector<2048x128xf32>
    %add3A_84 = arith.addf %add3A_78, %dot_general3A_83 : vector<2048x128xf32>
    %logistic3A = arith.negf %add3A_84 : vector<2048x128xf32>
    %logistic3A_85 = math.exp %logistic3A : vector<2048x128xf32>
    %logistic3A_86 = arith.constant 1.000000e+00 : f32
    %logistic3A_87 = vector.broadcast %logistic3A_86 : f32 to vector<2048x128xf32>
    %logistic3A_88 = arith.addf %logistic3A_87, %logistic3A_85 : vector<2048x128xf32>
    %logistic3A_89 = arith.divf %logistic3A_87, %logistic3A_88 : vector<2048x128xf32>
    %mul3A_90 = arith.mulf %add3A_84, %logistic3A_89 : vector<2048x128xf32>
    %get3A_91 = arith.constant 0 : index
    %get3A_92 = arith.constant 0 : index
    %get3A_93 = vector.load %arg10[%get3A_91, %get3A_92] : memref<128x128xf32, #tpu.memory_space<vmem>>, vector<128x128xf32>
    %dot_general3A_94 = arith.constant dense<0.000000e+00> : vector<2048x128xf32>
    %dot_general3A_95 = tpu.matmul %mul3A_90, %get3A_93, %dot_general3A_94 {dimension_numbers = #tpu.dot_dimension_numbers<[1], [0], [0], [1], [0, 0, 1, 1], [], []>, transpose_lhs_hint = false} : vector<2048x128xf32>, vector<128x128xf32>, vector<2048x128xf32> -> vector<2048x128xf32>
    %get3A_96 = arith.constant 0 : index
    %get3A_97 = arith.constant 0 : index
    %get3A_98 = vector.load %arg11[%get3A_96, %get3A_97] : memref<1x128xf32, #tpu.memory_space<vmem>>, vector<1x128xf32>
    %add3A_99 = vector.broadcast %get3A_98 : vector<1x128xf32> to vector<2048x128xf32>
    %add3A_100 = arith.addf %dot_general3A_95, %add3A_99 : vector<2048x128xf32>
    %logistic3A_101 = arith.negf %add3A_100 : vector<2048x128xf32>
    %logistic3A_102 = math.exp %logistic3A_101 : vector<2048x128xf32>
    %logistic3A_103 = arith.constant 1.000000e+00 : f32
    %logistic3A_104 = vector.broadcast %logistic3A_103 : f32 to vector<2048x128xf32>
    %logistic3A_105 = arith.addf %logistic3A_104, %logistic3A_102 : vector<2048x128xf32>
    %logistic3A_106 = arith.divf %logistic3A_104, %logistic3A_105 : vector<2048x128xf32>
    %mul3A_107 = arith.mulf %add3A_100, %logistic3A_106 : vector<2048x128xf32>
    %broadcast_in_dim3A_108 = arith.constant 1.000000e+00 : f32
    %broadcast_in_dim3A_109 = vector.broadcast %broadcast_in_dim3A_108 : f32 to vector<2048x1xf32>
    %broadcast_in_dim3A_110 = arith.constant 0.000000e+00 : f32
    %broadcast_in_dim3A_111 = vector.broadcast %broadcast_in_dim3A_110 : f32 to vector<2048x15xf32>
    %concatenate3A_112 = tpu.concatenate %mul3A_107, %broadcast_in_dim3A_109, %broadcast_in_dim3A_111 in 1 : vector<2048x128xf32>, vector<2048x1xf32>, vector<2048x15xf32> -> vector<2048x144xf32>
    %swap3A = arith.constant 0 : index
    %swap3A_113 = arith.constant 0 : index
    %swap3A_114 = vector.load %arg12[%swap3A, %swap3A_113] : memref<2048x144xf32, #tpu.memory_space<vmem>>, vector<2048x144xf32>
    tpu.vector_store %arg12[%swap3A, %swap3A_113], %concatenate3A_112 {strides = array<i32>} : memref<2048x144xf32, #tpu.memory_space<vmem>>, vector<2048x144xf32>,
    return
  }
  func.func @transform_0(%arg0: i32) -> (i32, i32) {
    %c0_i32 = arith.constant 0 : i32
    %c0_i32_0 = arith.constant 0 : i32
    return %arg0, %c0_i32 : i32, i32
  }
  func.func @transform_1(%arg0: i32) -> (i32, i32) {
    %c0_i32 = arith.constant 0 : i32
    %c0_i32_0 = arith.constant 0 : i32
    return %arg0, %c0_i32 : i32, i32
  }
  func.func @transform_2(%arg0: i32) -> (i32, i32) {
    %c0_i32 = arith.constant 0 : i32
    %c0_i32_0 = arith.constant 0 : i32
    return %arg0, %c0_i32 : i32, i32
  }
  func.func @transform_3(%arg0: i32) -> (i32, i32) {
    %c0_i32 = arith.constant 0 : i32
    %c0_i32_0 = arith.constant 0 : i32
    return %arg0, %c0_i32 : i32, i32
  }
  func.func @transform_4(%arg0: i32) -> (i32, i32) {
    %c0_i32 = arith.constant 0 : i32
    %c0_i32_0 = arith.constant 0 : i32
    return %arg0, %c0_i32 : i32, i32
  }
  func.func @transform_5(%arg0: i32) -> (i32, i32) {
    %c0_i32 = arith.constant 0 : i32
    %c0_i32_0 = arith.constant 0 : i32
    %c0_i32_1 = arith.constant 0 : i32
    return %c0_i32, %c0_i32_0 : i32, i32
  }
  func.func @transform_6(%arg0: i32) -> (i32, i32) {
    %c0_i32 = arith.constant 0 : i32
    %c0_i32_0 = arith.constant 0 : i32
    %c0_i32_1 = arith.constant 0 : i32
    return %c0_i32, %c0_i32_0 : i32, i32
  }
  func.func @transform_7(%arg0: i32) -> (i32, i32) {
    %c0_i32 = arith.constant 0 : i32
    %c0_i32_0 = arith.constant 0 : i32
    %c0_i32_1 = arith.constant 0 : i32
    return %c0_i32, %c0_i32_0 : i32, i32
  }
  func.func @transform_8(%arg0: i32) -> (i32, i32) {
    %c0_i32 = arith.constant 0 : i32
    %c0_i32_0 = arith.constant 0 : i32
    %c0_i32_1 = arith.constant 0 : i32
    return %c0_i32, %c0_i32_0 : i32, i32
  }
  func.func @transform_9(%arg0: i32) -> (i32, i32) {
    %c0_i32 = arith.constant 0 : i32
    %c0_i32_0 = arith.constant 0 : i32
    %c0_i32_1 = arith.constant 0 : i32
    return %c0_i32, %c0_i32_0 : i32, i32
  }
  func.func @transform_10(%arg0: i32) -> (i32, i32) {
    %c0_i32 = arith.constant 0 : i32
    %c0_i32_0 = arith.constant 0 : i32
    %c0_i32_1 = arith.constant 0 : i32
    return %c0_i32, %c0_i32_0 : i32, i32
  }
  func.func @transform_11(%arg0: i32) -> (i32, i32) {
    %c0_i32 = arith.constant 0 : i32
    %c0_i32_0 = arith.constant 0 : i32
    return %arg0, %c0_i32 : i32, i32
  }
}

module attributes {stable_mosaic.version = 14 : i64} {
  func.func @_node_body(%arg0: i32, %arg1: memref<1024x128xf32, #tpu.memory_space<vmem>>, %arg2: memref<1024x128xf32, #tpu.memory_space<vmem>>, %arg3: memref<2x1024x144xf32, #tpu.memory_space<vmem>>, %arg4: memref<128x128xf32, #tpu.memory_space<vmem>>, %arg5: memref<128x128xf32, #tpu.memory_space<vmem>>, %arg6: memref<1x128xf32, #tpu.memory_space<vmem>>, %arg7: memref<128x128xf32, #tpu.memory_space<vmem>>, %arg8: memref<1x128xf32, #tpu.memory_space<vmem>>, %arg9: memref<1024x128xf32, #tpu.memory_space<vmem>>) attributes {dimension_semantics = [#tpu.dimension_semantics<arbitrary>], iteration_bounds = array<i64: 10>, scalar_prefetch = 0 : i64, scratch_operands = 0 : i64, tpu.core_type = #tpu.core_type<tc>, window_params = [{transform_indices = @transform_0, window_bounds = array<i64: 1024, 128>}, {transform_indices = @transform_1, window_bounds = array<i64: 1024, 128>}, {transform_indices = @transform_2, window_bounds = array<i64: 2, 1024, 144>}, {pipeline_mode = #tpu.pipeline_mode<synchronous>, transform_indices = @transform_3, window_bounds = array<i64: 128, 128>}, {pipeline_mode = #tpu.pipeline_mode<synchronous>, transform_indices = @transform_4, window_bounds = array<i64: 128, 128>}, {pipeline_mode = #tpu.pipeline_mode<synchronous>, transform_indices = @transform_5, window_bounds = array<i64: 1, 128>}, {pipeline_mode = #tpu.pipeline_mode<synchronous>, transform_indices = @transform_6, window_bounds = array<i64: 128, 128>}, {pipeline_mode = #tpu.pipeline_mode<synchronous>, transform_indices = @transform_7, window_bounds = array<i64: 1, 128>}, {transform_indices = @transform_8, window_bounds = array<i64: 1024, 128>}]} {
    %get3A = arith.constant 0 : index
    %get3A_0 = arith.constant 0 : index
    %get3A_1 = arith.constant 0 : index
    %get3A_2 = vector.load %arg3[%get3A, %get3A_0, %get3A_1] : memref<2x1024x144xf32, #tpu.memory_space<vmem>>, vector<1x1024x144xf32>
    %get3A_3 = vector.shape_cast %get3A_2 : vector<1x1024x144xf32> to vector<1024x144xf32>
    %get3A_4 = arith.constant 1 : index
    %get3A_5 = arith.constant 0 : index
    %get3A_6 = arith.constant 0 : index
    %get3A_7 = vector.load %arg3[%get3A_4, %get3A_5, %get3A_6] : memref<2x1024x144xf32, #tpu.memory_space<vmem>>, vector<1x1024x144xf32>
    %get3A_8 = vector.shape_cast %get3A_7 : vector<1x1024x144xf32> to vector<1024x144xf32>
    %slice3A = vector.extract_strided_slice %get3A_3 {offsets = [0, 0], sizes = [1024, 128], strides = [1, 1]} : vector<1024x144xf32> to vector<1024x128xf32>
    %slice3A_9 = vector.extract_strided_slice %get3A_8 {offsets = [0, 0], sizes = [1024, 128], strides = [1, 1]} : vector<1024x144xf32> to vector<1024x128xf32>
    %add3A = arith.addf %slice3A, %slice3A_9 : vector<1024x128xf32>
    %slice3A_10 = vector.extract_strided_slice %get3A_3 {offsets = [0, 128], sizes = [1024, 1], strides = [1, 1]} : vector<1024x144xf32> to vector<1024x1xf32>
    %slice3A_11 = vector.extract_strided_slice %get3A_8 {offsets = [0, 128], sizes = [1024, 1], strides = [1, 1]} : vector<1024x144xf32> to vector<1024x1xf32>
    %add3A_12 = arith.addf %slice3A_10, %slice3A_11 : vector<1024x1xf32>
    %max3A = arith.constant 1.000000e+00 : f32
    %max3A_13 = vector.broadcast %max3A : f32 to vector<1024x1xf32>
    %max3A_14 = arith.maximumf %add3A_12, %max3A_13 : vector<1024x1xf32>
    %div3A = vector.broadcast %max3A_14 : vector<1024x1xf32> to vector<1024x128xf32>
    %div3A_15 = arith.divf %add3A, %div3A : vector<1024x128xf32>
    %get3A_16 = arith.constant 0 : index
    %get3A_17 = arith.constant 0 : index
    %get3A_18 = vector.load %arg1[%get3A_16, %get3A_17] : memref<1024x128xf32, #tpu.memory_space<vmem>>, vector<1024x128xf32>
    %get3A_19 = arith.constant 0 : index
    %get3A_20 = arith.constant 0 : index
    %get3A_21 = vector.load %arg4[%get3A_19, %get3A_20] : memref<128x128xf32, #tpu.memory_space<vmem>>, vector<128x128xf32>
    %dot_general3A = arith.constant dense<0.000000e+00> : vector<1024x128xf32>
    %dot_general3A_22 = tpu.matmul %get3A_18, %get3A_21, %dot_general3A {dimension_numbers = #tpu.dot_dimension_numbers<[1], [0], [0], [1], [0, 0, 1, 1], [], []>, transpose_lhs_hint = false} : vector<1024x128xf32>, vector<128x128xf32>, vector<1024x128xf32> -> vector<1024x128xf32>
    %get3A_23 = arith.constant 0 : index
    %get3A_24 = arith.constant 0 : index
    %get3A_25 = vector.load %arg5[%get3A_23, %get3A_24] : memref<128x128xf32, #tpu.memory_space<vmem>>, vector<128x128xf32>
    %dot_general3A_26 = arith.constant dense<0.000000e+00> : vector<1024x128xf32>
    %dot_general3A_27 = tpu.matmul %div3A_15, %get3A_25, %dot_general3A_26 {dimension_numbers = #tpu.dot_dimension_numbers<[1], [0], [0], [1], [0, 0, 1, 1], [], []>, transpose_lhs_hint = false} : vector<1024x128xf32>, vector<128x128xf32>, vector<1024x128xf32> -> vector<1024x128xf32>
    %add3A_28 = arith.addf %dot_general3A_22, %dot_general3A_27 : vector<1024x128xf32>
    %get3A_29 = arith.constant 0 : index
    %get3A_30 = arith.constant 0 : index
    %get3A_31 = vector.load %arg6[%get3A_29, %get3A_30] : memref<1x128xf32, #tpu.memory_space<vmem>>, vector<1x128xf32>
    %add3A_32 = vector.broadcast %get3A_31 : vector<1x128xf32> to vector<1024x128xf32>
    %add3A_33 = arith.addf %add3A_28, %add3A_32 : vector<1024x128xf32>
    %logistic3A = arith.negf %add3A_33 : vector<1024x128xf32>
    %logistic3A_34 = math.exp %logistic3A : vector<1024x128xf32>
    %logistic3A_35 = arith.constant 1.000000e+00 : f32
    %logistic3A_36 = vector.broadcast %logistic3A_35 : f32 to vector<1024x128xf32>
    %logistic3A_37 = arith.addf %logistic3A_36, %logistic3A_34 : vector<1024x128xf32>
    %logistic3A_38 = arith.divf %logistic3A_36, %logistic3A_37 : vector<1024x128xf32>
    %mul3A = arith.mulf %add3A_33, %logistic3A_38 : vector<1024x128xf32>
    %get3A_39 = arith.constant 0 : index
    %get3A_40 = arith.constant 0 : index
    %get3A_41 = vector.load %arg7[%get3A_39, %get3A_40] : memref<128x128xf32, #tpu.memory_space<vmem>>, vector<128x128xf32>
    %dot_general3A_42 = arith.constant dense<0.000000e+00> : vector<1024x128xf32>
    %dot_general3A_43 = tpu.matmul %mul3A, %get3A_41, %dot_general3A_42 {dimension_numbers = #tpu.dot_dimension_numbers<[1], [0], [0], [1], [0, 0, 1, 1], [], []>, transpose_lhs_hint = false} : vector<1024x128xf32>, vector<128x128xf32>, vector<1024x128xf32> -> vector<1024x128xf32>
    %get3A_44 = arith.constant 0 : index
    %get3A_45 = arith.constant 0 : index
    %get3A_46 = vector.load %arg8[%get3A_44, %get3A_45] : memref<1x128xf32, #tpu.memory_space<vmem>>, vector<1x128xf32>
    %add3A_47 = vector.broadcast %get3A_46 : vector<1x128xf32> to vector<1024x128xf32>
    %add3A_48 = arith.addf %dot_general3A_43, %add3A_47 : vector<1024x128xf32>
    %logistic3A_49 = arith.negf %add3A_48 : vector<1024x128xf32>
    %logistic3A_50 = math.exp %logistic3A_49 : vector<1024x128xf32>
    %logistic3A_51 = arith.constant 1.000000e+00 : f32
    %logistic3A_52 = vector.broadcast %logistic3A_51 : f32 to vector<1024x128xf32>
    %logistic3A_53 = arith.addf %logistic3A_52, %logistic3A_50 : vector<1024x128xf32>
    %logistic3A_54 = arith.divf %logistic3A_52, %logistic3A_53 : vector<1024x128xf32>
    %mul3A_55 = arith.mulf %add3A_48, %logistic3A_54 : vector<1024x128xf32>
    %get3A_56 = arith.constant 0 : index
    %get3A_57 = arith.constant 0 : index
    %get3A_58 = vector.load %arg2[%get3A_56, %get3A_57] : memref<1024x128xf32, #tpu.memory_space<vmem>>, vector<1024x128xf32>
    %add3A_59 = arith.addf %get3A_58, %mul3A_55 : vector<1024x128xf32>
    %swap3A = arith.constant 0 : index
    %swap3A_60 = arith.constant 0 : index
    %swap3A_61 = vector.load %arg9[%swap3A, %swap3A_60] : memref<1024x128xf32, #tpu.memory_space<vmem>>, vector<1024x128xf32>
    tpu.vector_store %arg9[%swap3A, %swap3A_60], %add3A_59 {strides = array<i32>} : memref<1024x128xf32, #tpu.memory_space<vmem>>, vector<1024x128xf32>,
    return
  }
  func.func @transform_0(%arg0: i32) -> (i32, i32) {
    %c0_i32 = arith.constant 0 : i32
    %c0_i32_0 = arith.constant 0 : i32
    return %arg0, %c0_i32 : i32, i32
  }
  func.func @transform_1(%arg0: i32) -> (i32, i32) {
    %c0_i32 = arith.constant 0 : i32
    %c0_i32_0 = arith.constant 0 : i32
    return %arg0, %c0_i32 : i32, i32
  }
  func.func @transform_2(%arg0: i32) -> (i32, i32, i32) {
    %c0_i32 = arith.constant 0 : i32
    %c0_i32_0 = arith.constant 0 : i32
    %c0_i32_1 = arith.constant 0 : i32
    return %c0_i32, %arg0, %c0_i32_0 : i32, i32, i32
  }
  func.func @transform_3(%arg0: i32) -> (i32, i32) {
    %c0_i32 = arith.constant 0 : i32
    %c0_i32_0 = arith.constant 0 : i32
    %c0_i32_1 = arith.constant 0 : i32
    return %c0_i32, %c0_i32_0 : i32, i32
  }
  func.func @transform_4(%arg0: i32) -> (i32, i32) {
    %c0_i32 = arith.constant 0 : i32
    %c0_i32_0 = arith.constant 0 : i32
    %c0_i32_1 = arith.constant 0 : i32
    return %c0_i32, %c0_i32_0 : i32, i32
  }
  func.func @transform_5(%arg0: i32) -> (i32, i32) {
    %c0_i32 = arith.constant 0 : i32
    %c0_i32_0 = arith.constant 0 : i32
    %c0_i32_1 = arith.constant 0 : i32
    return %c0_i32, %c0_i32_0 : i32, i32
  }
  func.func @transform_6(%arg0: i32) -> (i32, i32) {
    %c0_i32 = arith.constant 0 : i32
    %c0_i32_0 = arith.constant 0 : i32
    %c0_i32_1 = arith.constant 0 : i32
    return %c0_i32, %c0_i32_0 : i32, i32
  }
  func.func @transform_7(%arg0: i32) -> (i32, i32) {
    %c0_i32 = arith.constant 0 : i32
    %c0_i32_0 = arith.constant 0 : i32
    %c0_i32_1 = arith.constant 0 : i32
    return %c0_i32, %c0_i32_0 : i32, i32
  }
  func.func @transform_8(%arg0: i32) -> (i32, i32) {
    %c0_i32 = arith.constant 0 : i32
    %c0_i32_0 = arith.constant 0 : i32
    return %arg0, %c0_i32 : i32, i32
  }
}

</mosaic_0001>

<sc_bundles>
// kernel: kernel.11.cloned.1.call-start
scs
__scs_entry_jumppad:
0x0: {  	(pc) =	sbr.rel $0x88, $3  }
0x1: {  	(tag) =	ssettag $0x0;
	lr =	simm.s32 $0x1  }
0x2: {  	[smem:$0x3F91] =	sst lr;
	_ =	strace $0xD0000000  }
0x3: {  	_ = 	snop  }
0x4: {  	_ = 	snop  }
0x5: {  	_ = 	snop  }
0x6: {  	_ = 	snop  }
0x7: {  	_ = 	snop  }
__scs_overlays_trampoline_lowered:
0x8: {  	[smem:$0x3FA0] =	sst s0  }
0x9: {  	[smem:$0x3FA1] =	sst s1  }
0xa: {  	[smem:$0x3FA2] =	sst s2  }
0xb: {  	[smem:$0x3FA3] =	sst s3  }
0xc: {  	[smem:$0x3FA4] =	sst s4  }
0xd: {  	[smem:$0x3FA5] =	sst s5  }
0xe: {  	[smem:$0x3FA6] =	sst s6  }
0xf: {  	[smem:$0x3FA7] =	sst s7  }
0x10: {  	[smem:$0x3FA8] =	sst s8  }
0x11: {  	[smem:$0x3FA9] =	sst s9;
	s0 =	simm.s32 @!p0 $0x0  }
0x12: {  	s1 =	sld [smem:$0x3F8F];
	s0 =	simm.s32 @p0 $0x1  }
0x13: {  	[smem:$0x3FAA] =	sst s0;
	s0 =	simm.s32 @!p1 $0x0  }
0x14: {  	s2 =	sld [smem:$0x3F8E];
	s0 =	simm.s32 @p1 $0x1  }
0x15: {  	[smem:$0x3FAB] =	sst s0;
	s0 =	simm.s32 @!p2 $0x0  }
0x16: {  	s3 =	sld [smem:$0x3FDB];
	s0 =	simm.s32 @p2 $0x1  }
0x17: {  	s4 =	simm.s32 $0x1BF5;
	[smem:$0x3FAD] =	sst s0  }
0x18: {  	s0 =	sld [smem:$0x3F90];
	_ =	swait.ge [sflag:s4], $0x0  }
0x19: {  	s7 =	sld [smem:$0x3F91]  }
0x1a: {  	s8 =	sadd.s32 $0xFFFFE003, lr  }
0x1b: {  	s9 =	sadd.s32 $0xFFFFFEF7, lr;
	s5 =	simm.s32 $0xFFFFFFFF;
	p2 =	slt.u32 s8, $0xFFFFF086  }
0x1c: {  	p1 =	slt.u32 s9, $0xF7A;
	s5 =	simm.s32 @!p2 $0x0  }
0x1d: {  	s5 =	simm.s32 @p1 $0x1;
	p0 =	seq.s32 s7, s2  }
0x1e: {  	s7 =	smul.u32 @!p0 $0xF7A, s2;
	p2 =	seq.s32 @!p0 s5, $0x0  }
0x1f: {  	s9 =	smul.u32 $0xF7A, s1;
	s8 =	simm.s32 @!p0 $0x1BF5;
	p2 =	por !p2, p0  }
0x20: {  	[sflag:s8] =	ssyncset.s32 @!p0 $0xFFFFF086;
	s6 =	sadd.s32 @!p0 s3, s7;
	s7 =	simm.s32 @!p0 $0x108  }
0x21: {  	s3 =	sadd.s32 s3, s9;
	s6 =	sadd.s32 @!p0 $0x88, s6;
	s7 =	simm.s32 @p2 $0x1082  }
0x22: {  	[simem:s7], [sflag:s8] =	dma.local @!p0 [hbm:s6], $0xF7A  }
0x23: {  	s9 =	sor.u32 $0xD0000000, s2;
	s6 =	simm.s32 $0x108;
	_ =	swait.ge @!p0 [sflag:s8], $0x0  }
0x24: {  	s3 =	sadd.s32 $0x88, s3;
	s6 =	simm.s32 @!p1 $0x1082;
	[sflag:s4] =	ssyncset.s32 $0xFFFFF086  }
0x25: {  	[simem:s6], [sflag:s4] =	dma.local [hbm:s3], $0xF7A  }
0x26: {  	[smem:$0x3F91] =	sst s1;
	(tag) =	ssettag s2;
	_ =	strace s9  }
0x27: {  	s1 =	sld [smem:$0x3FA1]  }
0x28: {  	s2 =	sld [smem:$0x3FA2]  }
0x29: {  	s4 =	sld [smem:$0x3FA4]  }
0x2a: {  	p0 =	seq.s32 s5, $0x0;
	s5 =	sld [smem:$0x3FA5]  }
0x2b: {  	s6 =	sld [smem:$0x3FA6]  }
0x2c: {  	s7 =	sld [smem:$0x3FA7]  }
0x2d: {  	s3 =	simm.s32 $0x108;
	s8 =	sld [smem:$0x3FA8]  }
0x2e: {  	s3 =	simm.s32 @!p0 $0x1082;
	s9 =	sld [smem:$0x3FA9]  }
0x2f: {  	lr =	sadd.s32 s0, s3;
	s0 =	sld [smem:$0x3FA0]  }
0x30: {  	s3 =	sld [smem:$0x3FA3]  }
0x31: {  	[smem:$0x3FAC] =	sst s10  }
0x32: {  	s10 =	sld [smem:$0x3FAA];
	_ =	sdelay $0x3  }
0x33: {  	p0 =	seq.s32 s10, $0x1;
	s10 =	sld [smem:$0x3FAC];
	_ =	sdelay $0x3  }
0x34: {  	[smem:$0x3FAC] =	sst s10  }
0x35: {  	s10 =	sld [smem:$0x3FAB];
	_ =	sdelay $0x3  }
0x36: {  	p1 =	seq.s32 s10, $0x1;
	s10 =	sld [smem:$0x3FAC];
	_ =	sdelay $0x3  }
0x37: {  	[smem:$0x3FAC] =	sst s10  }
0x38: {  	s10 =	sld [smem:$0x3FAD]  }
0x39: {  	_ = 	snop;
	(pc) =	sbr.ind lr, $3  }
0x3a: {  	_ = 	snop  }
0x3b: {  	_ = 	snop  }
0x3c: {  	p2 =	seq.s32 s10, $0x1;
	s10 =	sld [smem:$0x3FAC]  }
0x3d: {  	_ =	shalt  }
0x3e: {  	_ =	shalt  }
0x3f: {  	_ =	shalt  }
0x40: {  	_ =	shalt  }
0x41: {  	_ =	shalt  }
0x42: {  	_ =	shalt  }
0x43: {  	_ =	shalt  }
0x44: {  	_ =	shalt  }
0x45: {  	_ =	shalt  }
0x46: {  	_ =	shalt  }
0x47: {  	_ =	shalt  }
0x48: {  	_ =	shalt  }
0x49: {  	_ =	shalt  }
0x4a: {  	_ =	shalt  }
0x4b: {  	_ =	shalt  }
0x4c: {  	_ =	shalt  }
0x4d: {  	_ =	shalt  }
0x4e: {  	_ =	shalt  }
0x4f: {  	_ =	shalt  }
0x50: {  	_ =	shalt  }
0x51: {  	_ =	shalt  }
0x52: {  	_ =	shalt  }
0x53: {  	_ =	shalt  }
0x54: {  	_ =	shalt  }
0x55: {  	_ =	shalt  }
0x56: {  	_ =	shalt  }
0x57: {  	_ =	shalt  }
0x58: {  	_ =	shalt  }
0x59: {  	_ =	shalt  }
0x5a: {  	_ =	shalt  }
0x5b: {  	_ =	shalt  }
0x5c: {  	_ =	shalt  }
0x5d: {  	_ =	shalt  }
0x5e: {  	_ =	shalt  }
0x5f: {  	_ =	shalt  }
0x60: {  	_ =	shalt  }
0x61: {  	_ =	shalt  }
0x62: {  	_ =	shalt  }
0x63: {  	_ =	shalt  }
0x64: {  	_ =	shalt  }
0x65: {  	_ =	shalt  }
0x66: {  	_ =	shalt  }
0x67: {  	_ =	shalt  }
0x68: {  	_ =	shalt  }
0x69: {  	_ =	shalt  }
0x6a: {  	_ =	shalt  }
0x6b: {  	_ =	shalt  }
0x6c: {  	_ =	shalt  }
0x6d: {  	_ =	shalt  }
0x6e: {  	_ =	shalt  }
0x6f: {  	_ =	shalt  }
0x70: {  	_ =	shalt  }
0x71: {  	_ =	shalt  }
0x72: {  	_ =	shalt  }
0x73: {  	_ =	shalt  }
0x74: {  	_ =	shalt  }
0x75: {  	_ =	shalt  }
0x76: {  	_ =	shalt  }
0x77: {  	_ =	shalt  }
0x78: {  	_ =	shalt  }
0x79: {  	_ =	shalt  }
0x7a: {  	_ =	shalt  }
0x7b: {  	_ =	shalt  }
0x7c: {  	_ =	shalt  }
0x7d: {  	_ =	shalt  }
0x7e: {  	_ =	shalt  }
0x7f: {  	_ =	shalt  }
0x80: {  	_ =	shalt  }
0x81: {  	_ =	shalt  }
0x82: {  	_ =	shalt  }
0x83: {  	_ =	shalt  }
0x84: {  	_ =	shalt  }
0x85: {  	_ =	shalt  }
0x86: {  	_ =	shalt  }
0x87: {  	_ =	shalt  }
.Lfunc_end0:
.L_simem_size_0:
called_computation.1_lowered:
.L_overlay_start_0:
0x88: {  	s2 =	sld [smem:$0x3FD9]  }
0x89: {  	s3 =	sld [smem:$0x3FFE];
	_ =	sdelay $0x1  }
0x8a: {  	s1 =	srdreg.scid  }
0x8b: {  	s0 =	sand.u32 $0x1, s1  }
0x8c: {  	s16 =	sshll.u32 s0, $0xA;
	s2 =	sadd.s32 s3, s2  }
0x8d: {  	s2 =	sadd.s32 s2, s16  }
0x8e: {  	[smem:$0x3FB8] =	sst s2  }
0x8f: {  	_ = 	snop  }
0x90: {  	(tm) =	ssettm $0x1  }
0x91: {  	s17 =	sld [smem:$0x3FFB];
	_ =	sdelay $0x3  }
0x92: {  	_ =	strace s17  }
0x93: {  	s2 =	sld [smem:$0x3FFC];
	_ =	sdelay $0x3  }
0x94: {  	_ =	strace s2  }
0x95: {  	s2 =	sld [smem:$0x3FFD];
	_ =	sdelay $0x3  }
0x96: {  	_ =	strace s2  }
0x97: {  	_ =	strace $0x8FFFFFFF  }
0x98: {  	s18 =	sld [smem:$0x3FDB];
	_ =	sdelay $0x1  }
0x99: {  	s19 =	simm.s32 $_scs_section_size  }
0x9a: {  	s4 =	simm.s32 $_size__tile_overlayer_lowered;
	s5 =	simm.s32 $_tile_overlayer_lowered  }
0x9b: {  	s22 =	simm.s32 $0x1BFF;
	s21 =	sshll.u32 s5, $0x1;
	s2 =	sadd.s32 s19, s18  }
0x9c: {  	s6 =	simm.s32 $0x0;
	s20 =	sshll.u32 s4, $0x1;
	s4 =	sadd.s32 s21, s2  }
0x9d: {  	[timem:s6], [sflag:s22] =	dma.local [hbm:s4], s20  }
0x9e: {  	_ =	swait.ge [sflag:s22], s20  }
0x9f: {  	s3 =	ssub.s32 $0x0, s20;
	[sflag:s22] =	ssyncset.done $0x0  }
0xa0: {  	[sflag:s22] =	ssyncadd.s32 s3;
	_ =	sdelay $0x1  }
0xa1: {  	s23 =	simm.s32 $0x1B8B  }
0xa2: {  	_ =	swait.ge [sflag:s23], $0x1  }
0xa3: {  	[sflag:s23] =	ssyncset.done $0x0  }
0xa4: {  	s25 =	simm.s32 $0x1B8E;
	s24 =	sld [smem:$0x3FFE];
	[sflag:s23] =	ssyncadd.s32 $0xFFFFFFFF  }
0xa5: {  	s26 =	simm.s32 $execute0_lowered;
	[smem:$0x3FD2] =	sst s25  }
0xa6: {  	s4 =	sshll.u32 s26, $0x1;
	_ =	strace $0x80000049;
	[dreg:$0x1] =	wrdreg $0xFFFFFFFF  }
0xa7: {  	s28 =	simm.s32 $_size_execute0_lowered;
	s2 =	sadd.s32 s2, s4;
	[dreg:$0x0] =	wrdreg $0x0  }
0xa8: {  	s4 =	sshll.u32 s28, $0x1;
	[dreg:$0x2] =	wrdreg s2  }
0xa9: {  	[dreg:$0x3] =	wrdreg s4  }
0xaa: {  	[dreg:$0x4] =	wrdreg $0xC0  }
0xab: {  	_ =	task [dreg:s6], $0x5FFFF  }
0xac: {  	[dreg:$0x1] =	wrdreg $0xFFFFFFFF  }
0xad: {  	[dreg:$0x0] =	wrdreg $0x60  }
0xae: {  	[dreg:$0x2] =	wrdreg s24  }
0xaf: {  	[dreg:$0x3] =	wrdreg $0x5C000  }
0xb0: {  	[dreg:$0x4] =	wrdreg $0x9  }
0xb1: {  	_ =	task.clear_ibuf [dreg:s6], $0x5FFFF;
	_ =	strace $0x90000049  }
0xb2: {  	s29 =	simm.s32 $0x9;
	_ =	strace $0x8000004B  }
0xb3: {  	_ =	swait.ge [sflag:s29], $0x1  }
0xb4: {  	[sflag:s29] =	ssyncadd.s32 $0xFFFFFFFF  }
0xb5: {  	_ =	strace $0x9000004B  }
0xb6: {  	_ =	sfence  }
0xb7: {  	s30 =	sld [smem:$0x0];
	_ =	sdelay $0x2  }
0xb8: {  	s31 =	sshll.u32 s1, $0xD;
	s1 =	sshrl.u32 s1, $0x2  }
0xb9: {  	s3 =	sand.u32 $0x4000, s31;
	s1 =	sadd.s32 s1, s30  }
0xba: {  	s0 =	sor.u32 s3, s0;
	s1 =	sshll.u32 s1, $0x11  }
0xbb: {  	s0 =	sor.u32 s1, s0  }
0xbc: {  	s0 =	sadd.s32 $0x8F2B, s0  }
0xbd: {  	[sflag:s0] =	ssyncadd.remote.s32 $0x1  }
0xbe: {  	_ =	sfence.sel $0xFFFF  }
0xbf: {  	[dreg:$0x0] =	wrdreg $0xFFFFFFFF;
	(pc) =	sbr.abs _section_cstart, $3  }
0xc0: {  	[dreg:$0x1] =	wrdreg $0xFFFFFFFF  }
0xc1: {  	_ =	task.clear_ibuf [dreg:s6], $0x2FFFF;
	_ =	strace $0x9FFFFFFF  }
0xc2: {  	(tm) =	ssettm $0x7FFFFFFF  }
0xc3: {  	_ =	shalt  }
tec
execute0_lowered:
.L_overlay_start_1:
0x0: {  	(tag) =	ssettag $0x1  }
0x1: {  	s0 =	stileid.u32  }
0x2: {  	s1 =	srdreg.scid;
	s5 =	rddreg [dreg:$0x0]  }
0x3: {  	s2 =	rddreg [dreg:$0x1];
	s3 =	simm.s32 $0x0;
	s4 =	smul.u32 $0x2D000, s0  }
0x4: {  	s14 =	simm.s32 $0x0;
	s6 =	sand.u32 $0x1, s1;
	s8 =	smul.u32 $0x2D00, s0  }
0x5: {  	s25 =	sshll.u32 s0, $0x1;
	s1 =	rddreg [dreg:$0x2];
	s12 =	smul.u32 $0x5A000, s0  }
0x6: {  	[smem:$0x7FF] =	sst s3;
	s29 =	sshll.u32 s0, $0x6;
	s9 =	smul.u32 $0x2D000, s6  }
0x7: {  	s7 =	sor.u32 s6, s25;
	_ =	strace $0x8000004A;
	s30 =	smul.u32 $0x16800, s6  }
0x8: {  	s11 =	ssub.s32 $0x2, s6;
	s7 =	smul.u32 $0x280, s7;
	s10 =	sadd.s32 s4, s5  }
0x9: {  	s26 =	sshrl.u32 s11, $0x1;
	s4 =	sadd.s32 $0x3C00, s5;
	s28 =	sshrl.u32 s12, $0x2  }
0xa: {  	s12 =	simm.s32 $0x1400;
	s8 =	sadd.s32 s8, s9;
	s9 =	ssub.s32 s11, s26  }
0xb: {  	s13 =	sadd.s32 s28, s2;
	s31 =	sadd.s32 s30, s10;
	s11 =	simm.s32 $0x1  }
0xc: {  	s7 =	sadd.s32 s7, s5;
	s8 =	sadd.s32 s8, s5;
	s5 =	sor.u32 $0x1C01, s29  }
0xd: {  	s10 =	sshrl.u32 s13, $0x3;
	s13 =	simm.s32 $0x80;
	s6 =	sadd.s32 $0x9400, s7  }
0xe: {  	s7 =	sadd.s32 $0x2DE400, s8;
	s8 =	smax.u32 s9, $0x1;
	s9 =	sadd.s32 $0xE400, s31  }
.LBB2_1:
0xf: {  	[spmem:s10], [sflag:s5] =	dma.local [hbm:s4], $0x2D00  }
0x10: {  	_ =	swait.ge [sflag:s11], $0x2D00  }
0x11: {  	[sflag:s11] =	ssyncset.done $0x0  }
0x12: {  	[sflag:s11] =	ssyncadd.s32 $0xFFFFD300  }
0x13: {  	[tilespmem:s3], [sflag:$0x1] =	stream.linear.gather [hbm4b:s6+s3], $0x1400, $0x38;
	[tilespmem:$0x1C400] =	vst v63  }
0x14: {  	_ =	swait.ge [sflag:s11], $0x1400  }
0x15: {  	[sflag:s11] =	ssyncset.done $0x0  }
0x16: {  	[sflag:s11] =	ssyncadd.s32 $0xFFFFEC00  }
0x17: {  	[bflag:$0x0] =	sbarrier.arrive $0xFFFF  }
0x18: {  	[tilespmem:s12], [sflag:$0x1] =	stream.linear.gather [hbm4b:s9+s3], $0x4800, $0x38;
	[tilespmem:$0x1C400] =	vst v63  }
0x19: {  	_ =	swait.ge [sflag:s11], $0x4800  }
0x1a: {  	[sflag:s11] =	ssyncset.done $0x0  }
0x1b: {  	s15 =	simm.s32 $0x0;
	[sflag:s11] =	ssyncadd.s32 $0xFFFFB800  }
0x1c: {  	[spmem:s2] =	stream.indirect.scatter.add.f32 [tilespmem:s12], [sflag:$0x1], $0x90, s15, s13, $0xb8;
	[tilespmem:$0x1C400] =	vst v63  }
0x1d: {  	_ =	swait.ge [sflag:s11], $0x4800  }
0x1e: {  	s16 =	smov.u32 s9;
	s15 =	simm.s32 $0x200;
	[sflag:s11] =	ssyncset.done $0x0  }
.LBB2_2:
0x1f: {  	p0 =	sne.s32 s15, $0x4E00;
	[sflag:s11] =	ssyncadd.s32 $0xFFFFB800;
	s16 =	sadd.s32 $0x900, s16  }
0x20: {  	[tilespmem:s12], [sflag:$0x1] =	stream.linear.gather [hbm4b:s16+s3], $0x4800, $0x38;
	[tilespmem:$0x1C400] =	vst v63  }
0x21: {  	s17 =	smov.u32 s15;
	s15 =	sadd.s32 $0x200, s15;
	_ =	swait.ge [sflag:s11], $0x4800  }
.Ltmp0:
0x22: {  	[sflag:s11] =	ssyncset.done $0x0;
	(pc) =	sbr.rel @p0 .LBB2_2-.Ltmp0, $4  }
0x23: {  	s17 =	sshra.s32 s17, $0x2;
	[sflag:s11] =	ssyncadd.s32 $0xFFFFB800  }
0x24: {  	[spmem:s2] =	stream.indirect.scatter.add.f32 [tilespmem:s12], [sflag:$0x1], $0x90, s17, s13, $0xb8;
	[tilespmem:$0x1C400] =	vst v63  }
0x25: {  	_ =	swait.ge [sflag:s11], $0x4800  }
0x26: {  	[sflag:s11] =	ssyncset.done $0x0  }
0x27: {  	s14 =	sadd.s32 $0x1, s14  }
0x28: {  	[sflag:s11] =	ssyncadd.s32 $0xFFFFB800;
	p0 =	sne.s32 s14, s8  }
.Ltmp1:
0x29: {  	[bflag:$0x0] =	sbarrier.arrive $0xFFFF;
	(pc) =	sbr.rel @p0 .LBB2_1-.Ltmp1, $4  }
0x2a: {  	[hbm:s7], [sflag:s5] =	dma.local [spmem:s10], $0x2D00  }
0x2b: {  	_ =	swait.ge [sflag:s11], $0x2D00  }
0x2c: {  	[sflag:s11] =	ssyncset.done $0x0  }
0x2d: {  	[sflag:s11] =	ssyncadd.s32 $0xFFFFD300  }
0x2e: {  	_ =	sfence.sel $0x180000  }
0x2f: {  	[bflag:$0x0] =	sbarrier.arrive $0xFFFF  }
0x30: {  	p0 =	sne.s32 s0, $0x0;
	_ =	strace $0x9000004A  }
0x31: {  	s0 =	sadd.s32 @!p0 $0x100000, s1;
	[bflag:$0x2] =	sbarrier.arrive $0xFFFF  }
0x32: {  	[sflag:s0] =	ssyncadd.tile.s32 @!p0 $0x1;
	_ =	shalt  }
.Lfunc_end2:
_tile_overlayer_lowered:
.L_overlay_start_2:
0x33: {  	(tag) =	ssettag $0x2  }
0x34: {  	s0 =	rddreg [dreg:$0x0];
	s2 =	stileid.u32  }
0x35: {  	s1 =	rddreg [dreg:$0x1];
	p0 =	sne.s32 s2, $0x0  }
0x36: {  	s3 =	rddreg [dreg:$0x2];
	[bflag:$0x3] =	sbarrier.arrive $0xFFFF;
	s2 =	simm.s32 @!p0 $0x1C01  }
0x37: {  	[timem:s3], [sflag:s2] =	dma.local @!p0 [hbm:s0], s1  }
0x38: {  	s0 =	simm.s32 @!p0 $0x1  }
0x39: {  	_ =	swait.ge @!p0 [sflag:s0], s1  }
0x3a: {  	s1 =	ssub.s32 @!p0 $0x0, s1;
	[sflag:s0] =	ssyncset.done @!p0 $0x0  }
0x3b: {  	[sflag:s0] =	ssyncadd.s32 @!p0 s1  }
0x3c: {  	[bflag:$0x3] =	sbarrier.arrive $0xFFFF  }
0x3d: {  	_ =	shalt  }

// kernel: kernel.8.cloned.1.call-start
scs
__scs_entry_jumppad:
0x0: {  	(pc) =	sbr.rel $0x88, $3  }
0x1: {  	(tag) =	ssettag $0x0;
	lr =	simm.s32 $0x1  }
0x2: {  	[smem:$0x3F91] =	sst lr;
	_ =	strace $0xD0000000  }
0x3: {  	_ = 	snop  }
0x4: {  	_ = 	snop  }
0x5: {  	_ = 	snop  }
0x6: {  	_ = 	snop  }
0x7: {  	_ = 	snop  }
__scs_overlays_trampoline_lowered:
0x8: {  	[smem:$0x3FA0] =	sst s0  }
0x9: {  	[smem:$0x3FA1] =	sst s1  }
0xa: {  	[smem:$0x3FA2] =	sst s2  }
0xb: {  	[smem:$0x3FA3] =	sst s3  }
0xc: {  	[smem:$0x3FA4] =	sst s4  }
0xd: {  	[smem:$0x3FA5] =	sst s5  }
0xe: {  	[smem:$0x3FA6] =	sst s6  }
0xf: {  	[smem:$0x3FA7] =	sst s7  }
0x10: {  	[smem:$0x3FA8] =	sst s8  }
0x11: {  	[smem:$0x3FA9] =	sst s9;
	s0 =	simm.s32 @!p0 $0x0  }
0x12: {  	s1 =	sld [smem:$0x3F8F];
	s0 =	simm.s32 @p0 $0x1  }
0x13: {  	[smem:$0x3FAA] =	sst s0;
	s0 =	simm.s32 @!p1 $0x0  }
0x14: {  	s2 =	sld [smem:$0x3F8E];
	s0 =	simm.s32 @p1 $0x1  }
0x15: {  	[smem:$0x3FAB] =	sst s0;
	s0 =	simm.s32 @!p2 $0x0  }
0x16: {  	s3 =	sld [smem:$0x3FDB];
	s0 =	simm.s32 @p2 $0x1  }
0x17: {  	s4 =	simm.s32 $0x1BF5;
	[smem:$0x3FAD] =	sst s0  }
0x18: {  	s0 =	sld [smem:$0x3F90];
	_ =	swait.ge [sflag:s4], $0x0  }
0x19: {  	s7 =	sld [smem:$0x3F91]  }
0x1a: {  	s8 =	sadd.s32 $0xFFFFE003, lr  }
0x1b: {  	s9 =	sadd.s32 $0xFFFFFEF7, lr;
	s5 =	simm.s32 $0xFFFFFFFF;
	p2 =	slt.u32 s8, $0xFFFFF086  }
0x1c: {  	p1 =	slt.u32 s9, $0xF7A;
	s5 =	simm.s32 @!p2 $0x0  }
0x1d: {  	s5 =	simm.s32 @p1 $0x1;
	p0 =	seq.s32 s7, s2  }
0x1e: {  	s7 =	smul.u32 @!p0 $0xF7A, s2;
	p2 =	seq.s32 @!p0 s5, $0x0  }
0x1f: {  	s9 =	smul.u32 $0xF7A, s1;
	s8 =	simm.s32 @!p0 $0x1BF5;
	p2 =	por !p2, p0  }
0x20: {  	[sflag:s8] =	ssyncset.s32 @!p0 $0xFFFFF086;
	s6 =	sadd.s32 @!p0 s3, s7;
	s7 =	simm.s32 @!p0 $0x108  }
0x21: {  	s3 =	sadd.s32 s3, s9;
	s6 =	sadd.s32 @!p0 $0x88, s6;
	s7 =	simm.s32 @p2 $0x1082  }
0x22: {  	[simem:s7], [sflag:s8] =	dma.local @!p0 [hbm:s6], $0xF7A  }
0x23: {  	s9 =	sor.u32 $0xD0000000, s2;
	s6 =	simm.s32 $0x108;
	_ =	swait.ge @!p0 [sflag:s8], $0x0  }
0x24: {  	s3 =	sadd.s32 $0x88, s3;
	s6 =	simm.s32 @!p1 $0x1082;
	[sflag:s4] =	ssyncset.s32 $0xFFFFF086  }
0x25: {  	[simem:s6], [sflag:s4] =	dma.local [hbm:s3], $0xF7A  }
0x26: {  	[smem:$0x3F91] =	sst s1;
	(tag) =	ssettag s2;
	_ =	strace s9  }
0x27: {  	s1 =	sld [smem:$0x3FA1]  }
0x28: {  	s2 =	sld [smem:$0x3FA2]  }
0x29: {  	s4 =	sld [smem:$0x3FA4]  }
0x2a: {  	p0 =	seq.s32 s5, $0x0;
	s5 =	sld [smem:$0x3FA5]  }
0x2b: {  	s6 =	sld [smem:$0x3FA6]  }
0x2c: {  	s7 =	sld [smem:$0x3FA7]  }
0x2d: {  	s3 =	simm.s32 $0x108;
	s8 =	sld [smem:$0x3FA8]  }
0x2e: {  	s3 =	simm.s32 @!p0 $0x1082;
	s9 =	sld [smem:$0x3FA9]  }
0x2f: {  	lr =	sadd.s32 s0, s3;
	s0 =	sld [smem:$0x3FA0]  }
0x30: {  	s3 =	sld [smem:$0x3FA3]  }
0x31: {  	[smem:$0x3FAC] =	sst s10  }
0x32: {  	s10 =	sld [smem:$0x3FAA];
	_ =	sdelay $0x3  }
0x33: {  	p0 =	seq.s32 s10, $0x1;
	s10 =	sld [smem:$0x3FAC];
	_ =	sdelay $0x3  }
0x34: {  	[smem:$0x3FAC] =	sst s10  }
0x35: {  	s10 =	sld [smem:$0x3FAB];
	_ =	sdelay $0x3  }
0x36: {  	p1 =	seq.s32 s10, $0x1;
	s10 =	sld [smem:$0x3FAC];
	_ =	sdelay $0x3  }
0x37: {  	[smem:$0x3FAC] =	sst s10  }
0x38: {  	s10 =	sld [smem:$0x3FAD]  }
0x39: {  	_ = 	snop;
	(pc) =	sbr.ind lr, $3  }
0x3a: {  	_ = 	snop  }
0x3b: {  	_ = 	snop  }
0x3c: {  	p2 =	seq.s32 s10, $0x1;
	s10 =	sld [smem:$0x3FAC]  }
0x3d: {  	_ =	shalt  }
0x3e: {  	_ =	shalt  }
0x3f: {  	_ =	shalt  }
0x40: {  	_ =	shalt  }
0x41: {  	_ =	shalt  }
0x42: {  	_ =	shalt  }
0x43: {  	_ =	shalt  }
0x44: {  	_ =	shalt  }
0x45: {  	_ =	shalt  }
0x46: {  	_ =	shalt  }
0x47: {  	_ =	shalt  }
0x48: {  	_ =	shalt  }
0x49: {  	_ =	shalt  }
0x4a: {  	_ =	shalt  }
0x4b: {  	_ =	shalt  }
0x4c: {  	_ =	shalt  }
0x4d: {  	_ =	shalt  }
0x4e: {  	_ =	shalt  }
0x4f: {  	_ =	shalt  }
0x50: {  	_ =	shalt  }
0x51: {  	_ =	shalt  }
0x52: {  	_ =	shalt  }
0x53: {  	_ =	shalt  }
0x54: {  	_ =	shalt  }
0x55: {  	_ =	shalt  }
0x56: {  	_ =	shalt  }
0x57: {  	_ =	shalt  }
0x58: {  	_ =	shalt  }
0x59: {  	_ =	shalt  }
0x5a: {  	_ =	shalt  }
0x5b: {  	_ =	shalt  }
0x5c: {  	_ =	shalt  }
0x5d: {  	_ =	shalt  }
0x5e: {  	_ =	shalt  }
0x5f: {  	_ =	shalt  }
0x60: {  	_ =	shalt  }
0x61: {  	_ =	shalt  }
0x62: {  	_ =	shalt  }
0x63: {  	_ =	shalt  }
0x64: {  	_ =	shalt  }
0x65: {  	_ =	shalt  }
0x66: {  	_ =	shalt  }
0x67: {  	_ =	shalt  }
0x68: {  	_ =	shalt  }
0x69: {  	_ =	shalt  }
0x6a: {  	_ =	shalt  }
0x6b: {  	_ =	shalt  }
0x6c: {  	_ =	shalt  }
0x6d: {  	_ =	shalt  }
0x6e: {  	_ =	shalt  }
0x6f: {  	_ =	shalt  }
0x70: {  	_ =	shalt  }
0x71: {  	_ =	shalt  }
0x72: {  	_ =	shalt  }
0x73: {  	_ =	shalt  }
0x74: {  	_ =	shalt  }
0x75: {  	_ =	shalt  }
0x76: {  	_ =	shalt  }
0x77: {  	_ =	shalt  }
0x78: {  	_ =	shalt  }
0x79: {  	_ =	shalt  }
0x7a: {  	_ =	shalt  }
0x7b: {  	_ =	shalt  }
0x7c: {  	_ =	shalt  }
0x7d: {  	_ =	shalt  }
0x7e: {  	_ =	shalt  }
0x7f: {  	_ =	shalt  }
0x80: {  	_ =	shalt  }
0x81: {  	_ =	shalt  }
0x82: {  	_ =	shalt  }
0x83: {  	_ =	shalt  }
0x84: {  	_ =	shalt  }
0x85: {  	_ =	shalt  }
0x86: {  	_ =	shalt  }
0x87: {  	_ =	shalt  }
.Lfunc_end0:
.L_simem_size_0:
called_computation_lowered:
.L_overlay_start_0:
0x88: {  	s2 =	sld [smem:$0x3FD9]  }
0x89: {  	s3 =	sld [smem:$0x3FFE];
	_ =	sdelay $0x1  }
0x8a: {  	s1 =	srdreg.scid  }
0x8b: {  	s0 =	sand.u32 $0x1, s1  }
0x8c: {  	s16 =	sshll.u32 s0, $0xA;
	s2 =	sadd.s32 s3, s2  }
0x8d: {  	s2 =	sadd.s32 s2, s16  }
0x8e: {  	[smem:$0x3FB8] =	sst s2  }
0x8f: {  	_ = 	snop  }
0x90: {  	(tm) =	ssettm $0x1  }
0x91: {  	s17 =	sld [smem:$0x3FFB];
	_ =	sdelay $0x3  }
0x92: {  	_ =	strace s17  }
0x93: {  	s2 =	sld [smem:$0x3FFC];
	_ =	sdelay $0x3  }
0x94: {  	_ =	strace s2  }
0x95: {  	s2 =	sld [smem:$0x3FFD];
	_ =	sdelay $0x3  }
0x96: {  	_ =	strace s2  }
0x97: {  	_ =	strace $0x8FFFFFFF  }
0x98: {  	s18 =	sld [smem:$0x3FDB];
	_ =	sdelay $0x1  }
0x99: {  	s19 =	simm.s32 $_scs_section_size  }
0x9a: {  	s4 =	simm.s32 $_size__tile_overlayer_lowered;
	s5 =	simm.s32 $_tile_overlayer_lowered  }
0x9b: {  	s22 =	simm.s32 $0x1BFF;
	s21 =	sshll.u32 s5, $0x1;
	s2 =	sadd.s32 s19, s18  }
0x9c: {  	s6 =	simm.s32 $0x0;
	s20 =	sshll.u32 s4, $0x1;
	s4 =	sadd.s32 s21, s2  }
0x9d: {  	[timem:s6], [sflag:s22] =	dma.local [hbm:s4], s20  }
0x9e: {  	_ =	swait.ge [sflag:s22], s20  }
0x9f: {  	s3 =	ssub.s32 $0x0, s20;
	[sflag:s22] =	ssyncset.done $0x0  }
0xa0: {  	[sflag:s22] =	ssyncadd.s32 s3;
	_ =	sdelay $0x1  }
0xa1: {  	s23 =	simm.s32 $0x1B8B  }
0xa2: {  	_ =	swait.ge [sflag:s23], $0x1  }
0xa3: {  	[sflag:s23] =	ssyncset.done $0x0  }
0xa4: {  	s25 =	simm.s32 $0x1B8E;
	s24 =	sld [smem:$0x3FFE];
	[sflag:s23] =	ssyncadd.s32 $0xFFFFFFFF  }
0xa5: {  	s26 =	simm.s32 $execute0_lowered;
	[smem:$0x3FD2] =	sst s25  }
0xa6: {  	s4 =	sshll.u32 s26, $0x1;
	_ =	strace $0x80000046;
	[dreg:$0x1] =	wrdreg $0xFFFFFFFF  }
0xa7: {  	s28 =	simm.s32 $_size_execute0_lowered;
	s2 =	sadd.s32 s2, s4;
	[dreg:$0x0] =	wrdreg $0x0  }
0xa8: {  	s4 =	sshll.u32 s28, $0x1;
	[dreg:$0x2] =	wrdreg s2  }
0xa9: {  	[dreg:$0x3] =	wrdreg s4  }
0xaa: {  	[dreg:$0x4] =	wrdreg $0xC0  }
0xab: {  	_ =	task [dreg:s6], $0x5FFFF  }
0xac: {  	[dreg:$0x1] =	wrdreg $0xFFFFFFFF  }
0xad: {  	[dreg:$0x0] =	wrdreg $0x60  }
0xae: {  	[dreg:$0x2] =	wrdreg s24  }
0xaf: {  	[dreg:$0x3] =	wrdreg $0x9  }
0xb0: {  	_ =	task.clear_ibuf [dreg:s6], $0x4FFFF;
	_ =	strace $0x90000046  }
0xb1: {  	s29 =	simm.s32 $0x9;
	_ =	strace $0x80000048  }
0xb2: {  	_ =	swait.ge [sflag:s29], $0x1  }
0xb3: {  	[sflag:s29] =	ssyncadd.s32 $0xFFFFFFFF  }
0xb4: {  	_ =	strace $0x90000048  }
0xb5: {  	_ =	sfence  }
0xb6: {  	s30 =	sld [smem:$0x0];
	_ =	sdelay $0x2  }
0xb7: {  	s31 =	sshll.u32 s1, $0xD;
	s1 =	sshrl.u32 s1, $0x2  }
0xb8: {  	s3 =	sand.u32 $0x4000, s31;
	s1 =	sadd.s32 s1, s30  }
0xb9: {  	s0 =	sor.u32 s3, s0;
	s1 =	sshll.u32 s1, $0x11  }
0xba: {  	s0 =	sor.u32 s1, s0  }
0xbb: {  	s0 =	sadd.s32 $0x8F2B, s0  }
0xbc: {  	[sflag:s0] =	ssyncadd.remote.s32 $0x1  }
0xbd: {  	_ =	sfence.sel $0xFFFF  }
0xbe: {  	[dreg:$0x0] =	wrdreg $0xFFFFFFFF;
	(pc) =	sbr.abs _section_cstart, $3  }
0xbf: {  	[dreg:$0x1] =	wrdreg $0xFFFFFFFF  }
0xc0: {  	_ =	task.clear_ibuf [dreg:s6], $0x2FFFF;
	_ =	strace $0x9FFFFFFF  }
0xc1: {  	(tm) =	ssettm $0x7FFFFFFF  }
tec
execute0_lowered:
.L_overlay_start_1:
0x0: {  	(tag) =	ssettag $0x1  }
0x1: {  	s5 =	rddreg [dreg:$0x0]  }
0x2: {  	s0 =	rddreg [dreg:$0x1];
	s2 =	simm.s32 $0x0;
	s3 =	srdreg.scid  }
0x3: {  	s1 =	stileid.u32;
	s12 =	simm.s32 $0x100;
	s13 =	simm.s32 $0x4100  }
0x4: {  	s14 =	simm.s32 $0x1;
	s15 =	simm.s32 $0x2;
	s7 =	smul.u32 $0x2800, s1  }
0x5: {  	s16 =	simm.s32 $0x0;
	s6 =	sand.u32 $0x1, s3;
	s9 =	smul.u32 $0x28000, s1  }
0x6: {  	[smem:$0x7FF] =	sst s2;
	s3 =	sadd.s32 $0x13400, s5;
	s8 =	smul.u32 $0x1400, s6  }
0x7: {  	s4 =	sadd.s32 $0x3A600, s5;
	s29 =	ssub.s32 $0x2, s6;
	s6 =	smul.u32 $0x14000, s6  }
0x8: {  	_ =	strace $0x80000047;
	s9 =	sadd.s32 s9, s5;
	s10 =	sshrl.u32 s29, $0x1  }
0x9: {  	s7 =	sadd.s32 s8, s7;
	s30 =	ssub.s32 s29, s10;
	s31 =	sadd.s32 s6, s9  }
0xa: {  	s10 =	simm.s32 $0x3;
	s7 =	sshrl.u32 s7, $0x3;
	s6 =	sadd.s32 $0x61800, s31  }
0xb: {  	s11 =	sadd.s32 s7, s5;
	s5 =	smax.u32 s30, $0x1;
	s7 =	sadd.s32 $0x2E1800, s31  }
0xc: {  	s8 =	sadd.s32 $0xE400, s11;
	s9 =	sadd.s32 $0x4400, s11;
	s11 =	simm.s32 $0x80  }
.LBB2_1:
0xd: {  	s17 =	sadd.s32 $0x0, s9  }
0xe: {  	[tilespmem:s2], [sflag:$0x3] =	stream.linear.gather [hbm4b:s17+s2], $0x80, $0x38;
	[tilespmem:$0x8100] =	vst v63  }
0xf: {  	_ =	swait.ge [sflag:s10], $0x80  }
0x10: {  	[sflag:s10] =	ssyncset.done $0x0  }
0x11: {  	s31 =	sadd.s32 $0x0, s8;
	[sflag:s10] =	ssyncadd.s32 $0xFFFFFF80  }
0x12: {  	[tilespmem:s11], [sflag:$0x3] =	stream.linear.gather [hbm4b:s31+s2], $0x80, $0x38;
	[tilespmem:$0x8100] =	vst v63  }
0x13: {  	_ =	swait.ge [sflag:s10], $0x80  }
0x14: {  	[sflag:s10] =	ssyncset.done $0x0  }
0x15: {  	[sflag:s10] =	ssyncadd.s32 $0xFFFFFF80  }
0x16: {  	[tilespmem:s12], [sflag:$0x1] =	stream.indirect.gather [hbm4b:s3+s11], $0x80, s2, s11, $0xb8;
	[tilespmem:$0x8100] =	vst v63  }
0x17: {  	_ = 	snop  }
0x18: {  	[tilespmem:s13], [sflag:$0x2] =	stream.indirect.gather [hbm4b:s4+s11], $0x80, s11, s11, $0xb8;
	[tilespmem:$0x8100] =	vst v63  }
0x19: {  	_ =	swait.ge [sflag:s14], $0x4000  }
0x1a: {  	[sflag:s14] =	ssyncset.done $0x0  }
0x1b: {  	[sflag:s14] =	ssyncadd.s32 $0xFFFFC000  }
0x1c: {  	_ =	swait.ge [sflag:s15], $0x4000  }
0x1d: {  	[sflag:s15] =	ssyncset.done $0x0  }
0x1e: {  	[sflag:s15] =	ssyncadd.s32 $0xFFFFC000  }
0x1f: {  	[hbm4b:s6+s2] =	stream.linear.scatter [tilespmem:s12], [sflag:$0x3], $0x4000, $0x38;
	[tilespmem:$0x8100] =	vst v63  }
0x20: {  	_ =	swait.ge [sflag:s10], $0x4000  }
0x21: {  	[sflag:s10] =	ssyncset.done $0x0  }
0x22: {  	[sflag:s10] =	ssyncadd.s32 $0xFFFFC000  }
0x23: {  	[hbm4b:s7+s2] =	stream.linear.scatter [tilespmem:s13], [sflag:$0x3], $0x4000, $0x38;
	[tilespmem:$0x8100] =	vst v63  }
0x24: {  	s19 =	simm.s32 $0x10;
	s20 =	simm.s32 $0x20;
	_ =	swait.ge [sflag:s10], $0x4000  }
0x25: {  	s18 =	sadd.s32 $0x800, s6;
	s17 =	sadd.s32 $0x800, s7;
	[sflag:s10] =	ssyncset.done $0x0  }
.LBB2_2:
0x26: {  	s21 =	sadd.s32 s19, s9  }
0x27: {  	[sflag:s10] =	ssyncadd.s32 $0xFFFFC000;
	s22 =	smov.u32 s20;
	s23 =	sadd.s32 $0x10, s20  }
0x28: {  	[tilespmem:s2], [sflag:$0x3] =	stream.linear.gather [hbm4b:s21+s2], $0x80, $0x38;
	[tilespmem:$0x8100] =	vst v63  }
0x29: {  	p0 =	sne.s32 s20, $0x270;
	_ =	swait.ge [sflag:s10], $0x80  }
0x2a: {  	[sflag:s10] =	ssyncset.done $0x0  }
0x2b: {  	s20 =	sadd.s32 s19, s8;
	s19 =	smov.u32 s22;
	[sflag:s10] =	ssyncadd.s32 $0xFFFFFF80  }
0x2c: {  	[tilespmem:s11], [sflag:$0x3] =	stream.linear.gather [hbm4b:s20+s2], $0x80, $0x38;
	[tilespmem:$0x8100] =	vst v63  }
0x2d: {  	_ =	swait.ge [sflag:s10], $0x80  }
0x2e: {  	[sflag:s10] =	ssyncset.done $0x0  }
0x2f: {  	[sflag:s10] =	ssyncadd.s32 $0xFFFFFF80  }
0x30: {  	[tilespmem:s12], [sflag:$0x1] =	stream.indirect.gather [hbm4b:s3+s11], $0x80, s2, s11, $0xb8;
	[tilespmem:$0x8100] =	vst v63  }
0x31: {  	_ = 	snop  }
0x32: {  	[tilespmem:s13], [sflag:$0x2] =	stream.indirect.gather [hbm4b:s4+s11], $0x80, s11, s11, $0xb8;
	[tilespmem:$0x8100] =	vst v63  }
0x33: {  	_ =	swait.ge [sflag:s14], $0x4000  }
0x34: {  	[sflag:s14] =	ssyncset.done $0x0  }
0x35: {  	[sflag:s14] =	ssyncadd.s32 $0xFFFFC000  }
0x36: {  	_ =	swait.ge [sflag:s15], $0x4000  }
0x37: {  	[sflag:s15] =	ssyncset.done $0x0  }
0x38: {  	[sflag:s15] =	ssyncadd.s32 $0xFFFFC000  }
0x39: {  	[hbm4b:s18+s2] =	stream.linear.scatter [tilespmem:s12], [sflag:$0x3], $0x4000, $0x38;
	[tilespmem:$0x8100] =	vst v63  }
0x3a: {  	_ =	swait.ge [sflag:s10], $0x4000  }
.Ltmp0:
0x3b: {  	[sflag:s10] =	ssyncset.done $0x0;
	(pc) =	sbr.rel @p0 .LBB2_2-.Ltmp0, $4  }
0x3c: {  	[sflag:s10] =	ssyncadd.s32 $0xFFFFC000  }
0x3d: {  	[hbm4b:s17+s2] =	stream.linear.scatter [tilespmem:s13], [sflag:$0x3], $0x4000, $0x38;
	[tilespmem:$0x8100] =	vst v63  }
0x3e: {  	s20 =	smov.u32 s23;
	_ =	swait.ge [sflag:s10], $0x4000  }
0x3f: {  	s18 =	sadd.s32 $0x800, s18;
	s17 =	sadd.s32 $0x800, s17;
	[sflag:s10] =	ssyncset.done $0x0  }
0x40: {  	s20 =	sadd.s32 s19, s9;
	[sflag:s10] =	ssyncadd.s32 $0xFFFFC000  }
0x41: {  	[tilespmem:s2], [sflag:$0x3] =	stream.linear.gather [hbm4b:s20+s2], $0x80, $0x38;
	[tilespmem:$0x8100] =	vst v63  }
0x42: {  	_ =	swait.ge [sflag:s10], $0x80  }
0x43: {  	[sflag:s10] =	ssyncset.done $0x0  }
0x44: {  	s31 =	sadd.s32 s19, s8;
	[sflag:s10] =	ssyncadd.s32 $0xFFFFFF80  }
0x45: {  	[tilespmem:s11], [sflag:$0x3] =	stream.linear.gather [hbm4b:s31+s2], $0x80, $0x38;
	[tilespmem:$0x8100] =	vst v63  }
0x46: {  	_ =	swait.ge [sflag:s10], $0x80  }
0x47: {  	[sflag:s10] =	ssyncset.done $0x0  }
0x48: {  	[sflag:s10] =	ssyncadd.s32 $0xFFFFFF80  }
0x49: {  	[tilespmem:s12], [sflag:$0x1] =	stream.indirect.gather [hbm4b:s3+s11], $0x80, s2, s11, $0xb8;
	[tilespmem:$0x8100] =	vst v63  }
0x4a: {  	_ = 	snop  }
0x4b: {  	[tilespmem:s13], [sflag:$0x2] =	stream.indirect.gather [hbm4b:s4+s11], $0x80, s11, s11, $0xb8;
	[tilespmem:$0x8100] =	vst v63  }
0x4c: {  	_ =	swait.ge [sflag:s14], $0x4000  }
0x4d: {  	[sflag:s14] =	ssyncset.done $0x0  }
0x4e: {  	[sflag:s14] =	ssyncadd.s32 $0xFFFFC000  }
0x4f: {  	_ =	swait.ge [sflag:s15], $0x4000  }
0x50: {  	[sflag:s15] =	ssyncset.done $0x0  }
0x51: {  	[sflag:s15] =	ssyncadd.s32 $0xFFFFC000  }
0x52: {  	[hbm4b:s18+s2] =	stream.linear.scatter [tilespmem:s12], [sflag:$0x3], $0x4000, $0x38;
	[tilespmem:$0x8100] =	vst v63  }
0x53: {  	s16 =	sadd.s32 $0x1, s16;
	_ =	swait.ge [sflag:s10], $0x4000  }
0x54: {  	p0 =	sne.s32 s16, s5;
	[sflag:s10] =	ssyncset.done $0x0  }
.Ltmp1:
0x55: {  	[sflag:s10] =	ssyncadd.s32 $0xFFFFC000;
	(pc) =	sbr.rel @p0 .LBB2_1-.Ltmp1, $4  }
0x56: {  	[hbm4b:s17+s2] =	stream.linear.scatter [tilespmem:s13], [sflag:$0x3], $0x4000, $0x38;
	[tilespmem:$0x8100] =	vst v63  }
0x57: {  	_ =	swait.ge [sflag:s10], $0x4000  }
0x58: {  	[sflag:s10] =	ssyncset.done $0x0  }
0x59: {  	[sflag:s10] =	ssyncadd.s32 $0xFFFFC000  }
0x5a: {  	_ =	sfence.sel $0x180000  }
0x5b: {  	[bflag:$0x0] =	sbarrier.arrive $0xFFFF  }
0x5c: {  	p0 =	sne.s32 s1, $0x0;
	_ =	strace $0x90000047  }
0x5d: {  	s0 =	sadd.s32 @!p0 $0x100000, s0;
	[bflag:$0x2] =	sbarrier.arrive $0xFFFF  }
0x5e: {  	[sflag:s0] =	ssyncadd.tile.s32 @!p0 $0x1;
	_ =	shalt  }
.Lfunc_end2:
_tile_overlayer_lowered:
.L_overlay_start_2:
0x5f: {  	(tag) =	ssettag $0x2  }
0x60: {  	s0 =	rddreg [dreg:$0x0];
	s2 =	stileid.u32  }
0x61: {  	s1 =	rddreg [dreg:$0x1];
	p0 =	sne.s32 s2, $0x0  }
0x62: {  	s3 =	rddreg [dreg:$0x2];
	[bflag:$0x3] =	sbarrier.arrive $0xFFFF;
	s2 =	simm.s32 @!p0 $0x1C03  }
0x63: {  	[timem:s3], [sflag:s2] =	dma.local @!p0 [hbm:s0], s1  }
0x64: {  	s0 =	simm.s32 @!p0 $0x3  }
0x65: {  	_ =	swait.ge @!p0 [sflag:s0], s1  }
0x66: {  	s1 =	ssub.s32 @!p0 $0x0, s1;
	[sflag:s0] =	ssyncset.done @!p0 $0x0  }
0x67: {  	[sflag:s0] =	ssyncadd.s32 @!p0 s1  }
0x68: {  	[bflag:$0x3] =	sbarrier.arrive $0xFFFF  }
0x69: {  	_ =	shalt  }

</sc_bundles>
